<compile_context>
chip_gen: v7x
topology: tpu7x:2x2x1
jax: 0.10.2.dev20260603
libtpu: 0.0.44.dev20260713+nightly
codegen_flags: <defaults>
</compile_context>

<pallas_src>
import functools

import jax
import jax.numpy as jnp
from jax import lax
from jax.experimental import pallas as pl
from jax.experimental.pallas import tpu as pltpu
from jax.experimental.pallas import tpu_sc as plsc

NUM_TOKENS = 32768
NSRC = 32768
IN_FEAT = 128
DIM = 256
NC, NS, L = 2, 16, 16
NW = NC * NS
TOK_PER_W = NUM_TOKENS // NW
IDX_BITS = 15
BT = 1024


_mesh = plsc.VectorSubcoreMesh(core_axis_name="c", subcore_axis_name="s")


@functools.partial(
    pl.kernel,
    out_type=(
        jax.ShapeDtypeStruct((NUM_TOKENS,), jnp.int32),
        jax.ShapeDtypeStruct((NUM_TOKENS,), jnp.int32),
        jax.ShapeDtypeStruct((NUM_TOKENS,), jnp.float32),
    ),
    mesh=_mesh,
    compiler_params=pltpu.CompilerParams(needs_layout_passes=False),
    scratch_types=[
        pltpu.VMEM((NSRC,), jnp.int32),
        pltpu.VMEM((TOK_PER_W,), jnp.int32),
        pltpu.VMEM((TOK_PER_W,), jnp.int32),
        pltpu.VMEM((TOK_PER_W,), jnp.float32),
    ],
)
def _sc_winner(sidx_hbm, peidx_hbm, w_hbm, pw_hbm, v_hbm,
               idx_v, winner_v, pw_v, valid_v):
    wid = lax.axis_index("s") * NC + lax.axis_index("c")
    base = wid * TOK_PER_W

    pltpu.sync_copy(sidx_hbm, idx_v)
    neg1 = jnp.full((L,), -1, jnp.int32)

    def init_body(g, _):
        winner_v[pl.ds(g * L, L)] = neg1
        return 0

    lax.fori_loop(0, TOK_PER_W // L, init_body, 0)

    sent = jnp.int32(2**31 - 1)
    iota = lax.iota(jnp.int32, L)
    shift_idx = jnp.minimum(iota + 1, L - 1)
    last_lane = iota == (L - 1)

    def scan_body(g, _):
        idx16 = idx_v[pl.ds(g * L, L)]
        local = idx16 - base
        inr = (local >= 0) & (local < TOK_PER_W)
        i_vec = g * L + iota
        key = jnp.where(inr, (local << IDX_BITS) | i_vec, sent)
        skey, _ = plsc.sort_key_val(key, key)
        nxt = skey.at[shift_idx].get(mode="promise_in_bounds")
        tok = skey >> IDX_BITS
        keep = ((tok != (nxt >> IDX_BITS)) | last_lane) & (skey != sent)
        tok_st = tok & (TOK_PER_W - 1)
        ival = skey & (NSRC - 1)
        plsc.store_scatter(winner_v, [tok_st], ival, mask=keep)
        return 0

    lax.fori_loop(0, NSRC // L, scan_body, 0, unroll=4)

    pltpu.sync_copy(peidx_hbm, idx_v)

    def pw_body(g, _):
        sl = pl.ds(g * L, L)
        w16 = winner_v[sl]
        wcl = jnp.maximum(w16, 0)
        pw_v[sl] = plsc.load_gather(idx_v, [wcl])
        valid_v[sl] = jnp.where(w16 >= 0, 1.0, 0.0).astype(jnp.float32)
        return 0

    lax.fori_loop(0, TOK_PER_W // L, pw_body, 0)

    pltpu.sync_copy(winner_v, w_hbm.at[pl.ds(base, TOK_PER_W)])
    pltpu.sync_copy(pw_v, pw_hbm.at[pl.ds(base, TOK_PER_W)])
    pltpu.sync_copy(valid_v, v_hbm.at[pl.ds(base, TOK_PER_W)])


def _combine_body(w_ref, pw_ref, sdata_ref, wm_ref, b_ref, pe_ref, v_ref,
                  o_ref, xg_ref, peg_ref):
    def gather_x(r, _):
        wr = w_ref[0, 0, r]
        idx = jnp.maximum(wr, 0)
        xg_ref[pl.ds(r, 1), :] = sdata_ref[pl.ds(idx, 1), :]
        return 0

    lax.fori_loop(0, BT, gather_x, 0, unroll=16)

    def gather_pe(r, _):
        pwr = pw_ref[0, 0, r]
        peg_ref[pl.ds(r, 1), :] = pe_ref[pl.ds(pwr, 1), :]
        return 0

    lax.fori_loop(0, BT, gather_pe, 0, unroll=16)

    mm = (
        jnp.dot(xg_ref[...], wm_ref[...], preferred_element_type=jnp.float32)
        + b_ref[...]
    )
    o_ref[...] = (mm + peg_ref[...]) * v_ref[...]


def _tc_combine(w_raw, pw, valid, sdata2d, W, b, pe):
    nblk = NUM_TOKENS // BT
    return pl.pallas_call(
        _combine_body,
        grid=(nblk,),
        in_specs=[
            pl.BlockSpec((1, 1, BT), lambda i: (i, 0, 0),
                         memory_space=pltpu.SMEM),
            pl.BlockSpec((1, 1, BT), lambda i: (i, 0, 0),
                         memory_space=pltpu.SMEM),
            pl.BlockSpec((NSRC, IN_FEAT), lambda i: (0, 0)),
            pl.BlockSpec((IN_FEAT, DIM), lambda i: (0, 0)),
            pl.BlockSpec((1, DIM), lambda i: (0, 0)),
            pl.BlockSpec((NUM_TOKENS, DIM), lambda i: (0, 0)),
            pl.BlockSpec((BT, 1), lambda i: (i, 0)),
        ],
        out_specs=pl.BlockSpec((BT, DIM), lambda i: (i, 0)),
        out_shape=jax.ShapeDtypeStruct((NUM_TOKENS, DIM), jnp.float32),
        scratch_shapes=[
            pltpu.VMEM((BT, IN_FEAT), jnp.float32),
            pltpu.VMEM((BT, DIM), jnp.float32),
        ],
        compiler_params=pltpu.CompilerParams(
            vmem_limit_bytes=56 * 1024 * 1024),
    )(w_raw.reshape(nblk, 1, BT), pw.reshape(nblk, 1, BT),
      sdata2d, W, b.reshape(1, DIM), pe, valid.reshape(NUM_TOKENS, 1))


def kernel(sdata, scatter_idxs, pe_idxs, pe_embed, W, b):
    w_raw, pw, valid = _sc_winner(
        scatter_idxs.astype(jnp.int32), pe_idxs.astype(jnp.int32))
    return _tc_combine(
        w_raw, pw, valid, sdata.reshape(-1, IN_FEAT), W, b, pe_embed)

# --- scband reference (transcript-rebuilt; emitter-appended) ---
"""Pipeline reference for scband-embedding-engine-10986526343715 (READ-ONLY COPY).

The authoritative reference and input builder live on the scoring server;
editing this copy changes nothing except your own understanding.
"""

import jax, jax.numpy as jnp
import numpy as np

NUM_CELLS = 8192
TOK_PER_CELL = 4
IN_FEAT = 128
DIM_EMBED = 256
NUM_TOKENS = 32768
NUM_PE = 32768

def setup_inputs(seed: int = 0) -> dict:
    key = jax.random.key(seed)
    k1, k2, k3, k4, k5, k6 = jax.random.split(key, 6)
    sdata = jax.random.normal(k1, (NUM_CELLS, TOK_PER_CELL, IN_FEAT), dtype=jnp.float32)
    scatter_idxs = jax.random.randint(k2, (NUM_CELLS * TOK_PER_CELL,), 0, NUM_TOKENS, dtype=jnp.int64)
    pe_idxs = jax.random.randint(k3, (NUM_CELLS * TOK_PER_CELL,), 0, NUM_PE, dtype=jnp.int64)
    pe_embed = jax.random.normal(k4, (NUM_PE, DIM_EMBED), dtype=jnp.float32)
    # learned params of StreamEmbedLinear (Linear(in_feat=sources_size*token_size, ae_local_dim_embed))
    W = jax.random.normal(k5, (IN_FEAT, DIM_EMBED), dtype=jnp.float32) * (1.0 / np.sqrt(IN_FEAT))
    b = jax.random.normal(k6, (DIM_EMBED,), dtype=jnp.float32) * 0.01
    return {"sdata": sdata, "scatter_idxs": scatter_idxs, "pe_idxs": pe_idxs, "pe_embed": pe_embed, "W": W, "b": b}

def reference(sdata, scatter_idxs, pe_idxs, pe_embed, W, b):
    # StreamEmbedLinear: linear projection of per-cell source tokens
    x_embed = jnp.einsum('ctf,fd->ctd', sdata, W) + b            # [cells, tok_per_cell, d]
    x_embed = x_embed.reshape(-1, DIM_EMBED)                       # flatten(0, 1)
    # add positional-embedding gather, then scatter-overwrite into global token buffer
    vals = x_embed + pe_embed[pe_idxs]                             # gather
    tokens_all = jnp.zeros((NUM_TOKENS, DIM_EMBED), dtype=jnp.float32)
    tokens_all = tokens_all.at[scatter_idxs].set(vals)             # scatter_ (overwrite)
    return tokens_all

if __name__ == "__main__":
    import jax
    _d = setup_inputs()
    print(jax.jit(kernel)(*tuple(_d.values())))

</pallas_src>

<mosaic_0001>
#map = affine_map<(d0, d1) -> (0)>
module attributes {stable_mosaic.version = 14 : i64} {
  func.func @_sc_winner(%arg0: i32, %arg1: i32, %arg2: memref<32768xi32, #tpu.memory_space<hbm>>, %arg3: memref<32768xi32, #tpu.memory_space<hbm>>, %arg4: memref<32768xi32, #tpu.memory_space<hbm>>, %arg5: memref<32768xi32, #tpu.memory_space<hbm>>, %arg6: memref<32768xf32, #tpu.memory_space<hbm>>, %arg7: memref<32768xi32, #tpu.memory_space<vmem>>, %arg8: memref<1024xi32, #tpu.memory_space<vmem>>, %arg9: memref<1024xi32, #tpu.memory_space<vmem>>, %arg10: memref<1024xf32, #tpu.memory_space<vmem>>) attributes {dimension_semantics = [#tpu.dimension_semantics<core_parallel>, #tpu.dimension_semantics<subcore_parallel>], iteration_bounds = array<i64: 2, 16>, scalar_prefetch = 0 : i64, scratch_operands = 4 : i64, tpu.core_type = #tpu.core_type<sc_vector_subcore>, window_params = [{transform_indices = #map}, {transform_indices = #map}, {transform_indices = #map}, {transform_indices = #map}, {transform_indices = #map}]} {
    %mul3A = arith.constant 2 : i32
    %mul3A_0 = arith.muli %arg1, %mul3A : i32
    %add3A = arith.addi %mul3A_0, %arg0 : i32
    %mul3A_1 = arith.constant 1024 : i32
    %mul3A_2 = arith.muli %add3A, %mul3A_1 : i32
    "tpu.region"() ({
      %run_scoped3A = tpu.sem_alloc : memref<!tpu.dma_semaphore, #tpu.memory_space<semaphore_mem>>
      tpu.enqueue_dma source(%arg2 : memref<32768xi32, #tpu.memory_space<hbm>>) target(%arg7 : memref<32768xi32, #tpu.memory_space<vmem>>) target_semaphore(%run_scoped3A : memref<!tpu.dma_semaphore, #tpu.memory_space<semaphore_mem>>)
      tpu.wait_dma2 semaphore(%run_scoped3A : memref<!tpu.dma_semaphore, #tpu.memory_space<semaphore_mem>>) src(%arg2 : memref<32768xi32, #tpu.memory_space<hbm>>) dst(%arg7 : memref<32768xi32, #tpu.memory_space<vmem>>)
      tpu.yield
    }) : () -> ()
    %broadcast_in_dim3A = arith.constant -1 : i32
    %broadcast_in_dim3A_3 = vector.broadcast %broadcast_in_dim3A : i32 to vector<16xi32>
    %scan3A = arith.constant 0 : i32
    %scan3A_4 = arith.constant 0 : i32
    %scan3A_5 = arith.constant 64 : i32
    %scan3A_6 = arith.addi %scan3A_4, %scan3A_5 : i32
    %scan3A_7 = arith.constant 1 : i32
    %scan3A_8 = scf.for %scan3A_32 = %scan3A_4 to %scan3A_6 step %scan3A_7 iter_args(%scan3A_33 = %scan3A) -> (i32)  : i32 {
      %mul3A_34 = arith.constant 16 : i32
      %mul3A_35 = arith.muli %scan3A_32, %mul3A_34 : i32
      %swap3A = arith.index_cast %mul3A_35 : i32 to index
      %swap3A_36 = tpu.vector_load %arg8[%swap3A] {strides = array<i32>} : memref<1024xi32, #tpu.memory_space<vmem>>, vector<16xi32>,
      tpu.vector_store %arg8[%swap3A], %broadcast_in_dim3A_3 {strides = array<i32>} : memref<1024xi32, #tpu.memory_space<vmem>>, vector<16xi32>,
      %scan3A_37 = arith.constant 0 : i32
      scf.yield %scan3A_37 : i32
    }
    %scan3A_9 = arith.constant 64 : i32
    %iota3A = tpu.iota {dimensions = array<i32: 0>} : vector<16xi32>
    %add3A_10 = arith.constant 1 : i32
    %add3A_11 = vector.broadcast %add3A_10 : i32 to vector<16xi32>
    %add3A_12 = arith.addi %iota3A, %add3A_11 : vector<16xi32>
    %min3A = arith.constant 15 : i32
    %min3A_13 = vector.broadcast %min3A : i32 to vector<16xi32>
    %min3A_14 = arith.minsi %add3A_12, %min3A_13 : vector<16xi32>
    %eq3A = arith.constant 15 : i32
    %eq3A_15 = vector.broadcast %eq3A : i32 to vector<16xi32>
    %eq3A_16 = arith.cmpi eq, %iota3A, %eq3A_15 : vector<16xi32>
    %scan3A_17 = arith.constant 2147483647 : i32
    %scan3A_18 = arith.constant 0 : i32
    %scan3A_19 = arith.constant 0 : i32
    %scan3A_20 = arith.constant 2048 : i32
    %scan3A_21 = arith.addi %scan3A_19, %scan3A_20 : i32
    %scan3A_22 = arith.constant 4 : i32
    %scan3A_23 = scf.for %scan3A_32 = %scan3A_19 to %scan3A_21 step %scan3A_22 iter_args(%scan3A_33 = %scan3A_18) -> (i32)  : i32 {
      %mul3A_34 = arith.constant 16 : i32
      %mul3A_35 = arith.muli %scan3A_32, %mul3A_34 : i32
      %get3A = arith.index_cast %mul3A_35 : i32 to index
      %get3A_36 = tpu.vector_load %arg7[%get3A] {strides = array<i32>} : memref<32768xi32, #tpu.memory_space<vmem>>, vector<16xi32>,
      %sub3A = vector.broadcast %mul3A_2 : i32 to vector<16xi32>
      %sub3A_37 = arith.subi %get3A_36, %sub3A : vector<16xi32>
      %ge3A = arith.constant 0 : i32
      %ge3A_38 = vector.broadcast %ge3A : i32 to vector<16xi32>
      %ge3A_39 = arith.cmpi sge, %sub3A_37, %ge3A_38 : vector<16xi32>
      %lt3A = arith.constant 1024 : i32
      %lt3A_40 = vector.broadcast %lt3A : i32 to vector<16xi32>
      %lt3A_41 = arith.cmpi slt, %sub3A_37, %lt3A_40 : vector<16xi32>
      %and3A = arith.andi %ge3A_39, %lt3A_41 : vector<16xi1>
      %mul3A_42 = arith.constant 16 : i32
      %mul3A_43 = arith.muli %scan3A_32, %mul3A_42 : i32
      %add3A_44 = vector.broadcast %mul3A_43 : i32 to vector<16xi32>
      %add3A_45 = arith.addi %add3A_44, %iota3A : vector<16xi32>
      %shift_left3A = arith.constant 15 : i32
      %shift_left3A_46 = vector.broadcast %shift_left3A : i32 to vector<16xi32>
      %shift_left3A_47 = arith.shli %sub3A_37, %shift_left3A_46 : vector<16xi32>
      %or3A = arith.ori %shift_left3A_47, %add3A_45 : vector<16xi32>
      %broadcast_in_dim3A_48 = vector.broadcast %scan3A_17 : i32 to vector<16xi32>
      %select_n3A = arith.select %and3A, %or3A, %broadcast_in_dim3A_48 : vector<16xi1>, vector<16xi32>
      %masked_sort3A = arith.constant dense<true> : vector<16xi1>
      %masked_sort3A_49 = arith.constant -2147483648 : i32
      %masked_sort3A_50 = vector.broadcast %masked_sort3A_49 : i32 to vector<16xi32>
      %masked_sort3A_51 = arith.xori %select_n3A, %masked_sort3A_50 : vector<16xi32>
      %masked_sort3A_52, %masked_sort3A_53, %masked_sort3A_54 = tpu.sort %masked_sort3A_51, %select_n3A masked %masked_sort3A : (vector<16xi32>, vector<16xi32>, vector<16xi1>) -> (vector<16xi1>, vector<16xi32>, vector<16xi32>)
      %masked_sort3A_55 = arith.xori %masked_sort3A_53, %masked_sort3A_50 : vector<16xi32>
      %lt3A_56 = arith.constant 0 : i32
      %lt3A_57 = vector.broadcast %lt3A_56 : i32 to vector<16xi32>
      %lt3A_58 = arith.cmpi slt, %min3A_14, %lt3A_57 : vector<16xi32>
      %add3A_59 = arith.constant 16 : i32
      %add3A_60 = vector.broadcast %add3A_59 : i32 to vector<16xi32>
      %add3A_61 = arith.addi %min3A_14, %add3A_60 : vector<16xi32>
      %select_n3A_62 = arith.select %lt3A_58, %add3A_61, %min3A_14 : vector<16xi1>, vector<16xi32>
      %broadcast_in_dim3A_63 = vector.shape_cast %select_n3A_62 : vector<16xi32> to vector<16x1xi32>
      %gather3A = vector.shape_cast %broadcast_in_dim3A_63 : vector<16x1xi32> to vector<16xi32>
      %gather3A_64 = tpu.dynamic_gather %masked_sort3A_55[%gather3A] in [0] : vector<16xi32>, vector<16xi32> -> vector<16xi32>
      %shift_right_arithmetic3A = arith.constant 15 : i32
      %shift_right_arithmetic3A_65 = vector.broadcast %shift_right_arithmetic3A : i32 to vector<16xi32>
      %shift_right_arithmetic3A_66 = arith.shrsi %masked_sort3A_55, %shift_right_arithmetic3A_65 : vector<16xi32>
      %shift_right_arithmetic3A_67 = arith.constant 15 : i32
      %shift_right_arithmetic3A_68 = vector.broadcast %shift_right_arithmetic3A_67 : i32 to vector<16xi32>
      %shift_right_arithmetic3A_69 = arith.shrsi %gather3A_64, %shift_right_arithmetic3A_68 : vector<16xi32>
      %ne3A = arith.cmpi ne, %shift_right_arithmetic3A_66, %shift_right_arithmetic3A_69 : vector<16xi32>
      %or3A_70 = arith.ori %ne3A, %eq3A_16 : vector<16xi1>
      %ne3A_71 = vector.broadcast %scan3A_17 : i32 to vector<16xi32>
      %ne3A_72 = arith.cmpi ne, %masked_sort3A_55, %ne3A_71 : vector<16xi32>
      %and3A_73 = arith.andi %or3A_70, %ne3A_72 : vector<16xi1>
      %and3A_74 = arith.constant 1023 : i32
      %and3A_75 = vector.broadcast %and3A_74 : i32 to vector<16xi32>
      %and3A_76 = arith.andi %shift_right_arithmetic3A_66, %and3A_75 : vector<16xi32>
      %and3A_77 = arith.constant 32767 : i32
      %and3A_78 = vector.broadcast %and3A_77 : i32 to vector<16xi32>
      %and3A_79 = arith.andi %masked_sort3A_55, %and3A_78 : vector<16xi32>
      tpu.vector_store_idx %arg8[%and3A_76], %and3A_79 masked %and3A_73 : memref<1024xi32, #tpu.memory_space<vmem>>[vector<16xi32>], vector<16xi32>, vector<16xi1>
      %scan3A_80 = arith.constant 0 : i32
      %scan3A_81 = arith.constant 1 : i32
      %scan3A_82 = arith.addi %scan3A_32, %scan3A_81 : i32
      %mul3A_83 = arith.constant 16 : i32
      %mul3A_84 = arith.muli %scan3A_82, %mul3A_83 : i32
      %get3A_85 = arith.index_cast %mul3A_84 : i32 to index
      %get3A_86 = tpu.vector_load %arg7[%get3A_85] {strides = array<i32>} : memref<32768xi32, #tpu.memory_space<vmem>>, vector<16xi32>,
      %sub3A_87 = vector.broadcast %mul3A_2 : i32 to vector<16xi32>
      %sub3A_88 = arith.subi %get3A_86, %sub3A_87 : vector<16xi32>
      %ge3A_89 = arith.constant 0 : i32
      %ge3A_90 = vector.broadcast %ge3A_89 : i32 to vector<16xi32>
      %ge3A_91 = arith.cmpi sge, %sub3A_88, %ge3A_90 : vector<16xi32>
      %lt3A_92 = arith.constant 1024 : i32
      %lt3A_93 = vector.broadcast %lt3A_92 : i32 to vector<16xi32>
      %lt3A_94 = arith.cmpi slt, %sub3A_88, %lt3A_93 : vector<16xi32>
      %and3A_95 = arith.andi %ge3A_91, %lt3A_94 : vector<16xi1>
      %mul3A_96 = arith.constant 16 : i32
      %mul3A_97 = arith.muli %scan3A_82, %mul3A_96 : i32
      %add3A_98 = vector.broadcast %mul3A_97 : i32 to vector<16xi32>
      %add3A_99 = arith.addi %add3A_98, %iota3A : vector<16xi32>
      %shift_left3A_100 = arith.constant 15 : i32
      %shift_left3A_101 = vector.broadcast %shift_left3A_100 : i32 to vector<16xi32>
      %shift_left3A_102 = arith.shli %sub3A_88, %shift_left3A_101 : vector<16xi32>
      %or3A_103 = arith.ori %shift_left3A_102, %add3A_99 : vector<16xi32>
      %broadcast_in_dim3A_104 = vector.broadcast %scan3A_17 : i32 to vector<16xi32>
      %select_n3A_105 = arith.select %and3A_95, %or3A_103, %broadcast_in_dim3A_104 : vector<16xi1>, vector<16xi32>
      %masked_sort3A_106 = arith.constant dense<true> : vector<16xi1>
      %masked_sort3A_107 = arith.constant -2147483648 : i32
      %masked_sort3A_108 = vector.broadcast %masked_sort3A_107 : i32 to vector<16xi32>
      %masked_sort3A_109 = arith.xori %select_n3A_105, %masked_sort3A_108 : vector<16xi32>
      %masked_sort3A_110, %masked_sort3A_111, %masked_sort3A_112 = tpu.sort %masked_sort3A_109, %select_n3A_105 masked %masked_sort3A_106 : (vector<16xi32>, vector<16xi32>, vector<16xi1>) -> (vector<16xi1>, vector<16xi32>, vector<16xi32>)
      %masked_sort3A_113 = arith.xori %masked_sort3A_111, %masked_sort3A_108 : vector<16xi32>
      %lt3A_114 = arith.constant 0 : i32
      %lt3A_115 = vector.broadcast %lt3A_114 : i32 to vector<16xi32>
      %lt3A_116 = arith.cmpi slt, %min3A_14, %lt3A_115 : vector<16xi32>
      %add3A_117 = arith.constant 16 : i32
      %add3A_118 = vector.broadcast %add3A_117 : i32 to vector<16xi32>
      %add3A_119 = arith.addi %min3A_14, %add3A_118 : vector<16xi32>
      %select_n3A_120 = arith.select %lt3A_116, %add3A_119, %min3A_14 : vector<16xi1>, vector<16xi32>
      %broadcast_in_dim3A_121 = vector.shape_cast %select_n3A_120 : vector<16xi32> to vector<16x1xi32>
      %gather3A_122 = vector.shape_cast %broadcast_in_dim3A_121 : vector<16x1xi32> to vector<16xi32>
      %gather3A_123 = tpu.dynamic_gather %masked_sort3A_113[%gather3A_122] in [0] : vector<16xi32>, vector<16xi32> -> vector<16xi32>
      %shift_right_arithmetic3A_124 = arith.constant 15 : i32
      %shift_right_arithmetic3A_125 = vector.broadcast %shift_right_arithmetic3A_124 : i32 to vector<16xi32>
      %shift_right_arithmetic3A_126 = arith.shrsi %masked_sort3A_113, %shift_right_arithmetic3A_125 : vector<16xi32>
      %shift_right_arithmetic3A_127 = arith.constant 15 : i32
      %shift_right_arithmetic3A_128 = vector.broadcast %shift_right_arithmetic3A_127 : i32 to vector<16xi32>
      %shift_right_arithmetic3A_129 = arith.shrsi %gather3A_123, %shift_right_arithmetic3A_128 : vector<16xi32>
      %ne3A_130 = arith.cmpi ne, %shift_right_arithmetic3A_126, %shift_right_arithmetic3A_129 : vector<16xi32>
      %or3A_131 = arith.ori %ne3A_130, %eq3A_16 : vector<16xi1>
      %ne3A_132 = vector.broadcast %scan3A_17 : i32 to vector<16xi32>
      %ne3A_133 = arith.cmpi ne, %masked_sort3A_113, %ne3A_132 : vector<16xi32>
      %and3A_134 = arith.andi %or3A_131, %ne3A_133 : vector<16xi1>
      %and3A_135 = arith.constant 1023 : i32
      %and3A_136 = vector.broadcast %and3A_135 : i32 to vector<16xi32>
      %and3A_137 = arith.andi %shift_right_arithmetic3A_126, %and3A_136 : vector<16xi32>
      %and3A_138 = arith.constant 32767 : i32
      %and3A_139 = vector.broadcast %and3A_138 : i32 to vector<16xi32>
      %and3A_140 = arith.andi %masked_sort3A_113, %and3A_139 : vector<16xi32>
      tpu.vector_store_idx %arg8[%and3A_137], %and3A_140 masked %and3A_134 : memref<1024xi32, #tpu.memory_space<vmem>>[vector<16xi32>], vector<16xi32>, vector<16xi1>
      %scan3A_141 = arith.constant 0 : i32
      %scan3A_142 = arith.constant 2 : i32
      %scan3A_143 = arith.addi %scan3A_32, %scan3A_142 : i32
      %mul3A_144 = arith.constant 16 : i32
      %mul3A_145 = arith.muli %scan3A_143, %mul3A_144 : i32
      %get3A_146 = arith.index_cast %mul3A_145 : i32 to index
      %get3A_147 = tpu.vector_load %arg7[%get3A_146] {strides = array<i32>} : memref<32768xi32, #tpu.memory_space<vmem>>, vector<16xi32>,
      %sub3A_148 = vector.broadcast %mul3A_2 : i32 to vector<16xi32>
      %sub3A_149 = arith.subi %get3A_147, %sub3A_148 : vector<16xi32>
      %ge3A_150 = arith.constant 0 : i32
      %ge3A_151 = vector.broadcast %ge3A_150 : i32 to vector<16xi32>
      %ge3A_152 = arith.cmpi sge, %sub3A_149, %ge3A_151 : vector<16xi32>
      %lt3A_153 = arith.constant 1024 : i32
      %lt3A_154 = vector.broadcast %lt3A_153 : i32 to vector<16xi32>
      %lt3A_155 = arith.cmpi slt, %sub3A_149, %lt3A_154 : vector<16xi32>
      %and3A_156 = arith.andi %ge3A_152, %lt3A_155 : vector<16xi1>
      %mul3A_157 = arith.constant 16 : i32
      %mul3A_158 = arith.muli %scan3A_143, %mul3A_157 : i32
      %add3A_159 = vector.broadcast %mul3A_158 : i32 to vector<16xi32>
      %add3A_160 = arith.addi %add3A_159, %iota3A : vector<16xi32>
      %shift_left3A_161 = arith.constant 15 : i32
      %shift_left3A_162 = vector.broadcast %shift_left3A_161 : i32 to vector<16xi32>
      %shift_left3A_163 = arith.shli %sub3A_149, %shift_left3A_162 : vector<16xi32>
      %or3A_164 = arith.ori %shift_left3A_163, %add3A_160 : vector<16xi32>
      %broadcast_in_dim3A_165 = vector.broadcast %scan3A_17 : i32 to vector<16xi32>
      %select_n3A_166 = arith.select %and3A_156, %or3A_164, %broadcast_in_dim3A_165 : vector<16xi1>, vector<16xi32>
      %masked_sort3A_167 = arith.constant dense<true> : vector<16xi1>
      %masked_sort3A_168 = arith.constant -2147483648 : i32
      %masked_sort3A_169 = vector.broadcast %masked_sort3A_168 : i32 to vector<16xi32>
      %masked_sort3A_170 = arith.xori %select_n3A_166, %masked_sort3A_169 : vector<16xi32>
      %masked_sort3A_171, %masked_sort3A_172, %masked_sort3A_173 = tpu.sort %masked_sort3A_170, %select_n3A_166 masked %masked_sort3A_167 : (vector<16xi32>, vector<16xi32>, vector<16xi1>) -> (vector<16xi1>, vector<16xi32>, vector<16xi32>)
      %masked_sort3A_174 = arith.xori %masked_sort3A_172, %masked_sort3A_169 : vector<16xi32>
      %lt3A_175 = arith.constant 0 : i32
      %lt3A_176 = vector.broadcast %lt3A_175 : i32 to vector<16xi32>
      %lt3A_177 = arith.cmpi slt, %min3A_14, %lt3A_176 : vector<16xi32>
      %add3A_178 = arith.constant 16 : i32
      %add3A_179 = vector.broadcast %add3A_178 : i32 to vector<16xi32>
      %add3A_180 = arith.addi %min3A_14, %add3A_179 : vector<16xi32>
      %select_n3A_181 = arith.select %lt3A_177, %add3A_180, %min3A_14 : vector<16xi1>, vector<16xi32>
      %broadcast_in_dim3A_182 = vector.shape_cast %select_n3A_181 : vector<16xi32> to vector<16x1xi32>
      %gather3A_183 = vector.shape_cast %broadcast_in_dim3A_182 : vector<16x1xi32> to vector<16xi32>
      %gather3A_184 = tpu.dynamic_gather %masked_sort3A_174[%gather3A_183] in [0] : vector<16xi32>, vector<16xi32> -> vector<16xi32>
      %shift_right_arithmetic3A_185 = arith.constant 15 : i32
      %shift_right_arithmetic3A_186 = vector.broadcast %shift_right_arithmetic3A_185 : i32 to vector<16xi32>
      %shift_right_arithmetic3A_187 = arith.shrsi %masked_sort3A_174, %shift_right_arithmetic3A_186 : vector<16xi32>
      %shift_right_arithmetic3A_188 = arith.constant 15 : i32
      %shift_right_arithmetic3A_189 = vector.broadcast %shift_right_arithmetic3A_188 : i32 to vector<16xi32>
      %shift_right_arithmetic3A_190 = arith.shrsi %gather3A_184, %shift_right_arithmetic3A_189 : vector<16xi32>
      %ne3A_191 = arith.cmpi ne, %shift_right_arithmetic3A_187, %shift_right_arithmetic3A_190 : vector<16xi32>
      %or3A_192 = arith.ori %ne3A_191, %eq3A_16 : vector<16xi1>
      %ne3A_193 = vector.broadcast %scan3A_17 : i32 to vector<16xi32>
      %ne3A_194 = arith.cmpi ne, %masked_sort3A_174, %ne3A_193 : vector<16xi32>
      %and3A_195 = arith.andi %or3A_192, %ne3A_194 : vector<16xi1>
      %and3A_196 = arith.constant 1023 : i32
      %and3A_197 = vector.broadcast %and3A_196 : i32 to vector<16xi32>
      %and3A_198 = arith.andi %shift_right_arithmetic3A_187, %and3A_197 : vector<16xi32>
      %and3A_199 = arith.constant 32767 : i32
      %and3A_200 = vector.broadcast %and3A_199 : i32 to vector<16xi32>
      %and3A_201 = arith.andi %masked_sort3A_174, %and3A_200 : vector<16xi32>
      tpu.vector_store_idx %arg8[%and3A_198], %and3A_201 masked %and3A_195 : memref<1024xi32, #tpu.memory_space<vmem>>[vector<16xi32>], vector<16xi32>, vector<16xi1>
      %scan3A_202 = arith.constant 0 : i32
      %scan3A_203 = arith.constant 3 : i32
      %scan3A_204 = arith.addi %scan3A_32, %scan3A_203 : i32
      %mul3A_205 = arith.constant 16 : i32
      %mul3A_206 = arith.muli %scan3A_204, %mul3A_205 : i32
      %get3A_207 = arith.index_cast %mul3A_206 : i32 to index
      %get3A_208 = tpu.vector_load %arg7[%get3A_207] {strides = array<i32>} : memref<32768xi32, #tpu.memory_space<vmem>>, vector<16xi32>,
      %sub3A_209 = vector.broadcast %mul3A_2 : i32 to vector<16xi32>
      %sub3A_210 = arith.subi %get3A_208, %sub3A_209 : vector<16xi32>
      %ge3A_211 = arith.constant 0 : i32
      %ge3A_212 = vector.broadcast %ge3A_211 : i32 to vector<16xi32>
      %ge3A_213 = arith.cmpi sge, %sub3A_210, %ge3A_212 : vector<16xi32>
      %lt3A_214 = arith.constant 1024 : i32
      %lt3A_215 = vector.broadcast %lt3A_214 : i32 to vector<16xi32>
      %lt3A_216 = arith.cmpi slt, %sub3A_210, %lt3A_215 : vector<16xi32>
      %and3A_217 = arith.andi %ge3A_213, %lt3A_216 : vector<16xi1>
      %mul3A_218 = arith.constant 16 : i32
      %mul3A_219 = arith.muli %scan3A_204, %mul3A_218 : i32
      %add3A_220 = vector.broadcast %mul3A_219 : i32 to vector<16xi32>
      %add3A_221 = arith.addi %add3A_220, %iota3A : vector<16xi32>
      %shift_left3A_222 = arith.constant 15 : i32
      %shift_left3A_223 = vector.broadcast %shift_left3A_222 : i32 to vector<16xi32>
      %shift_left3A_224 = arith.shli %sub3A_210, %shift_left3A_223 : vector<16xi32>
      %or3A_225 = arith.ori %shift_left3A_224, %add3A_221 : vector<16xi32>
      %broadcast_in_dim3A_226 = vector.broadcast %scan3A_17 : i32 to vector<16xi32>
      %select_n3A_227 = arith.select %and3A_217, %or3A_225, %broadcast_in_dim3A_226 : vector<16xi1>, vector<16xi32>
      %masked_sort3A_228 = arith.constant dense<true> : vector<16xi1>
      %masked_sort3A_229 = arith.constant -2147483648 : i32
      %masked_sort3A_230 = vector.broadcast %masked_sort3A_229 : i32 to vector<16xi32>
      %masked_sort3A_231 = arith.xori %select_n3A_227, %masked_sort3A_230 : vector<16xi32>
      %masked_sort3A_232, %masked_sort3A_233, %masked_sort3A_234 = tpu.sort %masked_sort3A_231, %select_n3A_227 masked %masked_sort3A_228 : (vector<16xi32>, vector<16xi32>, vector<16xi1>) -> (vector<16xi1>, vector<16xi32>, vector<16xi32>)
      %masked_sort3A_235 = arith.xori %masked_sort3A_233, %masked_sort3A_230 : vector<16xi32>
      %lt3A_236 = arith.constant 0 : i32
      %lt3A_237 = vector.broadcast %lt3A_236 : i32 to vector<16xi32>
      %lt3A_238 = arith.cmpi slt, %min3A_14, %lt3A_237 : vector<16xi32>
      %add3A_239 = arith.constant 16 : i32
      %add3A_240 = vector.broadcast %add3A_239 : i32 to vector<16xi32>
      %add3A_241 = arith.addi %min3A_14, %add3A_240 : vector<16xi32>
      %select_n3A_242 = arith.select %lt3A_238, %add3A_241, %min3A_14 : vector<16xi1>, vector<16xi32>
      %broadcast_in_dim3A_243 = vector.shape_cast %select_n3A_242 : vector<16xi32> to vector<16x1xi32>
      %gather3A_244 = vector.shape_cast %broadcast_in_dim3A_243 : vector<16x1xi32> to vector<16xi32>
      %gather3A_245 = tpu.dynamic_gather %masked_sort3A_235[%gather3A_244] in [0] : vector<16xi32>, vector<16xi32> -> vector<16xi32>
      %shift_right_arithmetic3A_246 = arith.constant 15 : i32
      %shift_right_arithmetic3A_247 = vector.broadcast %shift_right_arithmetic3A_246 : i32 to vector<16xi32>
      %shift_right_arithmetic3A_248 = arith.shrsi %masked_sort3A_235, %shift_right_arithmetic3A_247 : vector<16xi32>
      %shift_right_arithmetic3A_249 = arith.constant 15 : i32
      %shift_right_arithmetic3A_250 = vector.broadcast %shift_right_arithmetic3A_249 : i32 to vector<16xi32>
      %shift_right_arithmetic3A_251 = arith.shrsi %gather3A_245, %shift_right_arithmetic3A_250 : vector<16xi32>
      %ne3A_252 = arith.cmpi ne, %shift_right_arithmetic3A_248, %shift_right_arithmetic3A_251 : vector<16xi32>
      %or3A_253 = arith.ori %ne3A_252, %eq3A_16 : vector<16xi1>
      %ne3A_254 = vector.broadcast %scan3A_17 : i32 to vector<16xi32>
      %ne3A_255 = arith.cmpi ne, %masked_sort3A_235, %ne3A_254 : vector<16xi32>
      %and3A_256 = arith.andi %or3A_253, %ne3A_255 : vector<16xi1>
      %and3A_257 = arith.constant 1023 : i32
      %and3A_258 = vector.broadcast %and3A_257 : i32 to vector<16xi32>
      %and3A_259 = arith.andi %shift_right_arithmetic3A_248, %and3A_258 : vector<16xi32>
      %and3A_260 = arith.constant 32767 : i32
      %and3A_261 = vector.broadcast %and3A_260 : i32 to vector<16xi32>
      %and3A_262 = arith.andi %masked_sort3A_235, %and3A_261 : vector<16xi32>
      tpu.vector_store_idx %arg8[%and3A_259], %and3A_262 masked %and3A_256 : memref<1024xi32, #tpu.memory_space<vmem>>[vector<16xi32>], vector<16xi32>, vector<16xi1>
      %scan3A_263 = arith.constant 0 : i32
      scf.yield %scan3A_263 : i32
    }
    %scan3A_24 = arith.constant 2048 : i32
    "tpu.region"() ({
      %run_scoped3A = tpu.sem_alloc : memref<!tpu.dma_semaphore, #tpu.memory_space<semaphore_mem>>
      tpu.enqueue_dma source(%arg3 : memref<32768xi32, #tpu.memory_space<hbm>>) target(%arg7 : memref<32768xi32, #tpu.memory_space<vmem>>) target_semaphore(%run_scoped3A : memref<!tpu.dma_semaphore, #tpu.memory_space<semaphore_mem>>)
      tpu.wait_dma2 semaphore(%run_scoped3A : memref<!tpu.dma_semaphore, #tpu.memory_space<semaphore_mem>>) src(%arg3 : memref<32768xi32, #tpu.memory_space<hbm>>) dst(%arg7 : memref<32768xi32, #tpu.memory_space<vmem>>)
      tpu.yield
    }) : () -> ()
    %scan3A_25 = arith.constant 0 : i32
    %scan3A_26 = arith.constant 0 : i32
    %scan3A_27 = arith.constant 64 : i32
    %scan3A_28 = arith.addi %scan3A_26, %scan3A_27 : i32
    %scan3A_29 = arith.constant 1 : i32
    %scan3A_30 = scf.for %scan3A_32 = %scan3A_26 to %scan3A_28 step %scan3A_29 iter_args(%scan3A_33 = %scan3A_25) -> (i32)  : i32 {
      %mul3A_34 = arith.constant 16 : i32
      %mul3A_35 = arith.muli %scan3A_32, %mul3A_34 : i32
      %get3A = arith.index_cast %mul3A_35 : i32 to index
      %get3A_36 = tpu.vector_load %arg8[%get3A] {strides = array<i32>} : memref<1024xi32, #tpu.memory_space<vmem>>, vector<16xi32>,
      %max3A = arith.constant 0 : i32
      %max3A_37 = vector.broadcast %max3A : i32 to vector<16xi32>
      %max3A_38 = arith.maxsi %get3A_36, %max3A_37 : vector<16xi32>
      %gather3A = tpu.vector_load_idx %arg7[%max3A_38] : memref<32768xi32, #tpu.memory_space<vmem>>[vector<16xi32>], vector<16xi32>,
      %swap3A = arith.index_cast %mul3A_35 : i32 to index
      %swap3A_39 = tpu.vector_load %arg9[%swap3A] {strides = array<i32>} : memref<1024xi32, #tpu.memory_space<vmem>>, vector<16xi32>,
      tpu.vector_store %arg9[%swap3A], %gather3A {strides = array<i32>} : memref<1024xi32, #tpu.memory_space<vmem>>, vector<16xi32>,
      %ge3A = arith.constant 0 : i32
      %ge3A_40 = vector.broadcast %ge3A : i32 to vector<16xi32>
      %ge3A_41 = arith.cmpi sge, %get3A_36, %ge3A_40 : vector<16xi32>
      %jit3A = arith.constant 1.000000e+00 : f32
      %jit3A_42 = arith.constant 0.000000e+00 : f32
      %broadcast_in_dim3A_43 = vector.broadcast %jit3A : f32 to vector<16xf32>
      %broadcast_in_dim3A_44 = vector.broadcast %jit3A_42 : f32 to vector<16xf32>
      %select_n3A = arith.select %ge3A_41, %broadcast_in_dim3A_43, %broadcast_in_dim3A_44 : vector<16xi1>, vector<16xf32>
      %swap3A_45 = arith.index_cast %mul3A_35 : i32 to index
      %swap3A_46 = tpu.vector_load %arg10[%swap3A_45] {strides = array<i32>} : memref<1024xf32, #tpu.memory_space<vmem>>, vector<16xf32>,
      tpu.vector_store %arg10[%swap3A_45], %select_n3A {strides = array<i32>} : memref<1024xf32, #tpu.memory_space<vmem>>, vector<16xf32>,
      %scan3A_47 = arith.constant 0 : i32
      scf.yield %scan3A_47 : i32
    }
    %scan3A_31 = arith.constant 64 : i32
    "tpu.region"() ({
      %run_scoped3A = tpu.sem_alloc : memref<!tpu.dma_semaphore, #tpu.memory_space<semaphore_mem>>
      %dma_start3A = tpu.memref_slice %arg4[%mul3A_2] : memref<32768xi32, #tpu.memory_space<hbm>> -> memref<1024xi32, #tpu.memory_space<hbm>>
      %dma_start3A_32 = tpu.memref_slice %arg4[%mul3A_2] : memref<32768xi32, #tpu.memory_space<hbm>> -> memref<1024xi32, #tpu.memory_space<hbm>>
      tpu.enqueue_dma source(%arg8 : memref<1024xi32, #tpu.memory_space<vmem>>) target(%dma_start3A_32 : memref<1024xi32, #tpu.memory_space<hbm>>) target_semaphore(%run_scoped3A : memref<!tpu.dma_semaphore, #tpu.memory_space<semaphore_mem>>)
      %dma_wait3A = tpu.memref_slice %arg4[%mul3A_2] : memref<32768xi32, #tpu.memory_space<hbm>> -> memref<1024xi32, #tpu.memory_space<hbm>>
      %dma_wait3A_33 = tpu.memref_slice %arg4[%mul3A_2] : memref<32768xi32, #tpu.memory_space<hbm>> -> memref<1024xi32, #tpu.memory_space<hbm>>
      tpu.wait_dma2 semaphore(%run_scoped3A : memref<!tpu.dma_semaphore, #tpu.memory_space<semaphore_mem>>) src(%arg8 : memref<1024xi32, #tpu.memory_space<vmem>>) dst(%dma_wait3A_33 : memref<1024xi32, #tpu.memory_space<hbm>>)
      tpu.yield
    }) : () -> ()
    "tpu.region"() ({
      %run_scoped3A = tpu.sem_alloc : memref<!tpu.dma_semaphore, #tpu.memory_space<semaphore_mem>>
      %dma_start3A = tpu.memref_slice %arg5[%mul3A_2] : memref<32768xi32, #tpu.memory_space<hbm>> -> memref<1024xi32, #tpu.memory_space<hbm>>
      %dma_start3A_32 = tpu.memref_slice %arg5[%mul3A_2] : memref<32768xi32, #tpu.memory_space<hbm>> -> memref<1024xi32, #tpu.memory_space<hbm>>
      tpu.enqueue_dma source(%arg9 : memref<1024xi32, #tpu.memory_space<vmem>>) target(%dma_start3A_32 : memref<1024xi32, #tpu.memory_space<hbm>>) target_semaphore(%run_scoped3A : memref<!tpu.dma_semaphore, #tpu.memory_space<semaphore_mem>>)
      %dma_wait3A = tpu.memref_slice %arg5[%mul3A_2] : memref<32768xi32, #tpu.memory_space<hbm>> -> memref<1024xi32, #tpu.memory_space<hbm>>
      %dma_wait3A_33 = tpu.memref_slice %arg5[%mul3A_2] : memref<32768xi32, #tpu.memory_space<hbm>> -> memref<1024xi32, #tpu.memory_space<hbm>>
      tpu.wait_dma2 semaphore(%run_scoped3A : memref<!tpu.dma_semaphore, #tpu.memory_space<semaphore_mem>>) src(%arg9 : memref<1024xi32, #tpu.memory_space<vmem>>) dst(%dma_wait3A_33 : memref<1024xi32, #tpu.memory_space<hbm>>)
      tpu.yield
    }) : () -> ()
    "tpu.region"() ({
      %run_scoped3A = tpu.sem_alloc : memref<!tpu.dma_semaphore, #tpu.memory_space<semaphore_mem>>
      %dma_start3A = tpu.memref_slice %arg6[%mul3A_2] : memref<32768xf32, #tpu.memory_space<hbm>> -> memref<1024xf32, #tpu.memory_space<hbm>>
      %dma_start3A_32 = tpu.memref_slice %arg6[%mul3A_2] : memref<32768xf32, #tpu.memory_space<hbm>> -> memref<1024xf32, #tpu.memory_space<hbm>>
      tpu.enqueue_dma source(%arg10 : memref<1024xf32, #tpu.memory_space<vmem>>) target(%dma_start3A_32 : memref<1024xf32, #tpu.memory_space<hbm>>) target_semaphore(%run_scoped3A : memref<!tpu.dma_semaphore, #tpu.memory_space<semaphore_mem>>)
      %dma_wait3A = tpu.memref_slice %arg6[%mul3A_2] : memref<32768xf32, #tpu.memory_space<hbm>> -> memref<1024xf32, #tpu.memory_space<hbm>>
      %dma_wait3A_33 = tpu.memref_slice %arg6[%mul3A_2] : memref<32768xf32, #tpu.memory_space<hbm>> -> memref<1024xf32, #tpu.memory_space<hbm>>
      tpu.wait_dma2 semaphore(%run_scoped3A : memref<!tpu.dma_semaphore, #tpu.memory_space<semaphore_mem>>) src(%arg10 : memref<1024xf32, #tpu.memory_space<vmem>>) dst(%dma_wait3A_33 : memref<1024xf32, #tpu.memory_space<hbm>>)
      tpu.yield
    }) : () -> ()
    return
  }
}

module attributes {stable_mosaic.version = 14 : i64} {
  func.func @_combine_body(%arg0: i32, %arg1: memref<1x1x1024xi32, #tpu.memory_space<smem>>, %arg2: memref<1x1x1024xi32, #tpu.memory_space<smem>>, %arg3: memref<32768x128xf32, #tpu.memory_space<vmem>>, %arg4: memref<128x256xf32, #tpu.memory_space<vmem>>, %arg5: memref<1x256xf32, #tpu.memory_space<vmem>>, %arg6: memref<32768x256xf32, #tpu.memory_space<vmem>>, %arg7: memref<1024x1xf32, #tpu.memory_space<vmem>>, %arg8: memref<1024x256xf32, #tpu.memory_space<vmem>>, %arg9: memref<1024x128xf32, #tpu.memory_space<vmem>>, %arg10: memref<1024x256xf32, #tpu.memory_space<vmem>>) attributes {dimension_semantics = [#tpu.dimension_semantics<arbitrary>], iteration_bounds = array<i64: 32>, scalar_prefetch = 0 : i64, scratch_operands = 2 : i64, tpu.core_type = #tpu.core_type<tc>, window_params = [{transform_indices = @transform_0, window_bounds = array<i64: 1, 1, 1024>}, {transform_indices = @transform_1, window_bounds = array<i64: 1, 1, 1024>}, {pipeline_mode = #tpu.pipeline_mode<synchronous>, transform_indices = @transform_2, window_bounds = array<i64: 32768, 128>}, {pipeline_mode = #tpu.pipeline_mode<synchronous>, transform_indices = @transform_3, window_bounds = array<i64: 128, 256>}, {pipeline_mode = #tpu.pipeline_mode<synchronous>, transform_indices = @transform_4, window_bounds = array<i64: 1, 256>}, {pipeline_mode = #tpu.pipeline_mode<synchronous>, transform_indices = @transform_5, window_bounds = array<i64: 32768, 256>}, {transform_indices = @transform_6, window_bounds = array<i64: 1024, 1>}, {transform_indices = @transform_7, window_bounds = array<i64: 1024, 256>}]} {
    %scan3A = arith.constant 0 : i32
    %scan3A_0 = arith.constant 1024 : i32
    %scan3A_1 = arith.addi %scan3A, %scan3A_0 : i32
    %scan3A_2 = arith.constant 16 : i32
    scf.for %scan3A_29 = %scan3A to %scan3A_1 step %scan3A_2  : i32 {
      %get3A_30 = arith.constant 0 : index
      %get3A_31 = arith.constant 0 : index
      %get3A_32 = arith.index_cast %scan3A_29 : i32 to index
      %get3A_33 = memref.load %arg1[%get3A_30, %get3A_31, %get3A_32] : memref<1x1x1024xi32, #tpu.memory_space<smem>>
      %max3A = arith.constant 0 : i32
      %max3A_34 = arith.maxsi %get3A_33, %max3A : i32
      %get3A_35 = arith.index_cast %max3A_34 : i32 to index
      %get3A_36 = arith.constant 0 : index
      %get3A_37 = vector.load %arg3[%get3A_35, %get3A_36] : memref<32768x128xf32, #tpu.memory_space<vmem>>, vector<1x128xf32>
      %swap3A_38 = arith.index_cast %scan3A_29 : i32 to index
      %swap3A_39 = arith.constant 0 : index
      %swap3A_40 = vector.load %arg9[%swap3A_38, %swap3A_39] : memref<1024x128xf32, #tpu.memory_space<vmem>>, vector<1x128xf32>
      tpu.vector_store %arg9[%swap3A_38, %swap3A_39], %get3A_37 {strides = array<i32>} : memref<1024x128xf32, #tpu.memory_space<vmem>>, vector<1x128xf32>,
      %scan3A_41 = arith.constant 1 : i32
      %scan3A_42 = arith.addi %scan3A_29, %scan3A_41 : i32
      %get3A_43 = arith.constant 0 : index
      %get3A_44 = arith.constant 0 : index
      %get3A_45 = arith.index_cast %scan3A_42 : i32 to index
      %get3A_46 = memref.load %arg1[%get3A_43, %get3A_44, %get3A_45] : memref<1x1x1024xi32, #tpu.memory_space<smem>>
      %max3A_47 = arith.constant 0 : i32
      %max3A_48 = arith.maxsi %get3A_46, %max3A_47 : i32
      %get3A_49 = arith.index_cast %max3A_48 : i32 to index
      %get3A_50 = arith.constant 0 : index
      %get3A_51 = vector.load %arg3[%get3A_49, %get3A_50] : memref<32768x128xf32, #tpu.memory_space<vmem>>, vector<1x128xf32>
      %swap3A_52 = arith.index_cast %scan3A_42 : i32 to index
      %swap3A_53 = arith.constant 0 : index
      %swap3A_54 = vector.load %arg9[%swap3A_52, %swap3A_53] : memref<1024x128xf32, #tpu.memory_space<vmem>>, vector<1x128xf32>
      tpu.vector_store %arg9[%swap3A_52, %swap3A_53], %get3A_51 {strides = array<i32>} : memref<1024x128xf32, #tpu.memory_space<vmem>>, vector<1x128xf32>,
      %scan3A_55 = arith.constant 2 : i32
      %scan3A_56 = arith.addi %scan3A_29, %scan3A_55 : i32
      %get3A_57 = arith.constant 0 : index
      %get3A_58 = arith.constant 0 : index
      %get3A_59 = arith.index_cast %scan3A_56 : i32 to index
      %get3A_60 = memref.load %arg1[%get3A_57, %get3A_58, %get3A_59] : memref<1x1x1024xi32, #tpu.memory_space<smem>>
      %max3A_61 = arith.constant 0 : i32
      %max3A_62 = arith.maxsi %get3A_60, %max3A_61 : i32
      %get3A_63 = arith.index_cast %max3A_62 : i32 to index
      %get3A_64 = arith.constant 0 : index
      %get3A_65 = vector.load %arg3[%get3A_63, %get3A_64] : memref<32768x128xf32, #tpu.memory_space<vmem>>, vector<1x128xf32>
      %swap3A_66 = arith.index_cast %scan3A_56 : i32 to index
      %swap3A_67 = arith.constant 0 : index
      %swap3A_68 = vector.load %arg9[%swap3A_66, %swap3A_67] : memref<1024x128xf32, #tpu.memory_space<vmem>>, vector<1x128xf32>
      tpu.vector_store %arg9[%swap3A_66, %swap3A_67], %get3A_65 {strides = array<i32>} : memref<1024x128xf32, #tpu.memory_space<vmem>>, vector<1x128xf32>,
      %scan3A_69 = arith.constant 3 : i32
      %scan3A_70 = arith.addi %scan3A_29, %scan3A_69 : i32
      %get3A_71 = arith.constant 0 : index
      %get3A_72 = arith.constant 0 : index
      %get3A_73 = arith.index_cast %scan3A_70 : i32 to index
      %get3A_74 = memref.load %arg1[%get3A_71, %get3A_72, %get3A_73] : memref<1x1x1024xi32, #tpu.memory_space<smem>>
      %max3A_75 = arith.constant 0 : i32
      %max3A_76 = arith.maxsi %get3A_74, %max3A_75 : i32
      %get3A_77 = arith.index_cast %max3A_76 : i32 to index
      %get3A_78 = arith.constant 0 : index
      %get3A_79 = vector.load %arg3[%get3A_77, %get3A_78] : memref<32768x128xf32, #tpu.memory_space<vmem>>, vector<1x128xf32>
      %swap3A_80 = arith.index_cast %scan3A_70 : i32 to index
      %swap3A_81 = arith.constant 0 : index
      %swap3A_82 = vector.load %arg9[%swap3A_80, %swap3A_81] : memref<1024x128xf32, #tpu.memory_space<vmem>>, vector<1x128xf32>
      tpu.vector_store %arg9[%swap3A_80, %swap3A_81], %get3A_79 {strides = array<i32>} : memref<1024x128xf32, #tpu.memory_space<vmem>>, vector<1x128xf32>,
      %scan3A_83 = arith.constant 4 : i32
      %scan3A_84 = arith.addi %scan3A_29, %scan3A_83 : i32
      %get3A_85 = arith.constant 0 : index
      %get3A_86 = arith.constant 0 : index
      %get3A_87 = arith.index_cast %scan3A_84 : i32 to index
      %get3A_88 = memref.load %arg1[%get3A_85, %get3A_86, %get3A_87] : memref<1x1x1024xi32, #tpu.memory_space<smem>>
      %max3A_89 = arith.constant 0 : i32
      %max3A_90 = arith.maxsi %get3A_88, %max3A_89 : i32
      %get3A_91 = arith.index_cast %max3A_90 : i32 to index
      %get3A_92 = arith.constant 0 : index
      %get3A_93 = vector.load %arg3[%get3A_91, %get3A_92] : memref<32768x128xf32, #tpu.memory_space<vmem>>, vector<1x128xf32>
      %swap3A_94 = arith.index_cast %scan3A_84 : i32 to index
      %swap3A_95 = arith.constant 0 : index
      %swap3A_96 = vector.load %arg9[%swap3A_94, %swap3A_95] : memref<1024x128xf32, #tpu.memory_space<vmem>>, vector<1x128xf32>
      tpu.vector_store %arg9[%swap3A_94, %swap3A_95], %get3A_93 {strides = array<i32>} : memref<1024x128xf32, #tpu.memory_space<vmem>>, vector<1x128xf32>,
      %scan3A_97 = arith.constant 5 : i32
      %scan3A_98 = arith.addi %scan3A_29, %scan3A_97 : i32
      %get3A_99 = arith.constant 0 : index
      %get3A_100 = arith.constant 0 : index
      %get3A_101 = arith.index_cast %scan3A_98 : i32 to index
      %get3A_102 = memref.load %arg1[%get3A_99, %get3A_100, %get3A_101] : memref<1x1x1024xi32, #tpu.memory_space<smem>>
      %max3A_103 = arith.constant 0 : i32
      %max3A_104 = arith.maxsi %get3A_102, %max3A_103 : i32
      %get3A_105 = arith.index_cast %max3A_104 : i32 to index
      %get3A_106 = arith.constant 0 : index
      %get3A_107 = vector.load %arg3[%get3A_105, %get3A_106] : memref<32768x128xf32, #tpu.memory_space<vmem>>, vector<1x128xf32>
      %swap3A_108 = arith.index_cast %scan3A_98 : i32 to index
      %swap3A_109 = arith.constant 0 : index
      %swap3A_110 = vector.load %arg9[%swap3A_108, %swap3A_109] : memref<1024x128xf32, #tpu.memory_space<vmem>>, vector<1x128xf32>
      tpu.vector_store %arg9[%swap3A_108, %swap3A_109], %get3A_107 {strides = array<i32>} : memref<1024x128xf32, #tpu.memory_space<vmem>>, vector<1x128xf32>,
      %scan3A_111 = arith.constant 6 : i32
      %scan3A_112 = arith.addi %scan3A_29, %scan3A_111 : i32
      %get3A_113 = arith.constant 0 : index
      %get3A_114 = arith.constant 0 : index
      %get3A_115 = arith.index_cast %scan3A_112 : i32 to index
      %get3A_116 = memref.load %arg1[%get3A_113, %get3A_114, %get3A_115] : memref<1x1x1024xi32, #tpu.memory_space<smem>>
      %max3A_117 = arith.constant 0 : i32
      %max3A_118 = arith.maxsi %get3A_116, %max3A_117 : i32
      %get3A_119 = arith.index_cast %max3A_118 : i32 to index
      %get3A_120 = arith.constant 0 : index
      %get3A_121 = vector.load %arg3[%get3A_119, %get3A_120] : memref<32768x128xf32, #tpu.memory_space<vmem>>, vector<1x128xf32>
      %swap3A_122 = arith.index_cast %scan3A_112 : i32 to index
      %swap3A_123 = arith.constant 0 : index
      %swap3A_124 = vector.load %arg9[%swap3A_122, %swap3A_123] : memref<1024x128xf32, #tpu.memory_space<vmem>>, vector<1x128xf32>
      tpu.vector_store %arg9[%swap3A_122, %swap3A_123], %get3A_121 {strides = array<i32>} : memref<1024x128xf32, #tpu.memory_space<vmem>>, vector<1x128xf32>,
      %scan3A_125 = arith.constant 7 : i32
      %scan3A_126 = arith.addi %scan3A_29, %scan3A_125 : i32
      %get3A_127 = arith.constant 0 : index
      %get3A_128 = arith.constant 0 : index
      %get3A_129 = arith.index_cast %scan3A_126 : i32 to index
      %get3A_130 = memref.load %arg1[%get3A_127, %get3A_128, %get3A_129] : memref<1x1x1024xi32, #tpu.memory_space<smem>>
      %max3A_131 = arith.constant 0 : i32
      %max3A_132 = arith.maxsi %get3A_130, %max3A_131 : i32
      %get3A_133 = arith.index_cast %max3A_132 : i32 to index
      %get3A_134 = arith.constant 0 : index
      %get3A_135 = vector.load %arg3[%get3A_133, %get3A_134] : memref<32768x128xf32, #tpu.memory_space<vmem>>, vector<1x128xf32>
      %swap3A_136 = arith.index_cast %scan3A_126 : i32 to index
      %swap3A_137 = arith.constant 0 : index
      %swap3A_138 = vector.load %arg9[%swap3A_136, %swap3A_137] : memref<1024x128xf32, #tpu.memory_space<vmem>>, vector<1x128xf32>
      tpu.vector_store %arg9[%swap3A_136, %swap3A_137], %get3A_135 {strides = array<i32>} : memref<1024x128xf32, #tpu.memory_space<vmem>>, vector<1x128xf32>,
      %scan3A_139 = arith.constant 8 : i32
      %scan3A_140 = arith.addi %scan3A_29, %scan3A_139 : i32
      %get3A_141 = arith.constant 0 : index
      %get3A_142 = arith.constant 0 : index
      %get3A_143 = arith.index_cast %scan3A_140 : i32 to index
      %get3A_144 = memref.load %arg1[%get3A_141, %get3A_142, %get3A_143] : memref<1x1x1024xi32, #tpu.memory_space<smem>>
      %max3A_145 = arith.constant 0 : i32
      %max3A_146 = arith.maxsi %get3A_144, %max3A_145 : i32
      %get3A_147 = arith.index_cast %max3A_146 : i32 to index
      %get3A_148 = arith.constant 0 : index
      %get3A_149 = vector.load %arg3[%get3A_147, %get3A_148] : memref<32768x128xf32, #tpu.memory_space<vmem>>, vector<1x128xf32>
      %swap3A_150 = arith.index_cast %scan3A_140 : i32 to index
      %swap3A_151 = arith.constant 0 : index
      %swap3A_152 = vector.load %arg9[%swap3A_150, %swap3A_151] : memref<1024x128xf32, #tpu.memory_space<vmem>>, vector<1x128xf32>
      tpu.vector_store %arg9[%swap3A_150, %swap3A_151], %get3A_149 {strides = array<i32>} : memref<1024x128xf32, #tpu.memory_space<vmem>>, vector<1x128xf32>,
      %scan3A_153 = arith.constant 9 : i32
      %scan3A_154 = arith.addi %scan3A_29, %scan3A_153 : i32
      %get3A_155 = arith.constant 0 : index
      %get3A_156 = arith.constant 0 : index
      %get3A_157 = arith.index_cast %scan3A_154 : i32 to index
      %get3A_158 = memref.load %arg1[%get3A_155, %get3A_156, %get3A_157] : memref<1x1x1024xi32, #tpu.memory_space<smem>>
      %max3A_159 = arith.constant 0 : i32
      %max3A_160 = arith.maxsi %get3A_158, %max3A_159 : i32
      %get3A_161 = arith.index_cast %max3A_160 : i32 to index
      %get3A_162 = arith.constant 0 : index
      %get3A_163 = vector.load %arg3[%get3A_161, %get3A_162] : memref<32768x128xf32, #tpu.memory_space<vmem>>, vector<1x128xf32>
      %swap3A_164 = arith.index_cast %scan3A_154 : i32 to index
      %swap3A_165 = arith.constant 0 : index
      %swap3A_166 = vector.load %arg9[%swap3A_164, %swap3A_165] : memref<1024x128xf32, #tpu.memory_space<vmem>>, vector<1x128xf32>
      tpu.vector_store %arg9[%swap3A_164, %swap3A_165], %get3A_163 {strides = array<i32>} : memref<1024x128xf32, #tpu.memory_space<vmem>>, vector<1x128xf32>,
      %scan3A_167 = arith.constant 10 : i32
      %scan3A_168 = arith.addi %scan3A_29, %scan3A_167 : i32
      %get3A_169 = arith.constant 0 : index
      %get3A_170 = arith.constant 0 : index
      %get3A_171 = arith.index_cast %scan3A_168 : i32 to index
      %get3A_172 = memref.load %arg1[%get3A_169, %get3A_170, %get3A_171] : memref<1x1x1024xi32, #tpu.memory_space<smem>>
      %max3A_173 = arith.constant 0 : i32
      %max3A_174 = arith.maxsi %get3A_172, %max3A_173 : i32
      %get3A_175 = arith.index_cast %max3A_174 : i32 to index
      %get3A_176 = arith.constant 0 : index
      %get3A_177 = vector.load %arg3[%get3A_175, %get3A_176] : memref<32768x128xf32, #tpu.memory_space<vmem>>, vector<1x128xf32>
      %swap3A_178 = arith.index_cast %scan3A_168 : i32 to index
      %swap3A_179 = arith.constant 0 : index
      %swap3A_180 = vector.load %arg9[%swap3A_178, %swap3A_179] : memref<1024x128xf32, #tpu.memory_space<vmem>>, vector<1x128xf32>
      tpu.vector_store %arg9[%swap3A_178, %swap3A_179], %get3A_177 {strides = array<i32>} : memref<1024x128xf32, #tpu.memory_space<vmem>>, vector<1x128xf32>,
      %scan3A_181 = arith.constant 11 : i32
      %scan3A_182 = arith.addi %scan3A_29, %scan3A_181 : i32
      %get3A_183 = arith.constant 0 : index
      %get3A_184 = arith.constant 0 : index
      %get3A_185 = arith.index_cast %scan3A_182 : i32 to index
      %get3A_186 = memref.load %arg1[%get3A_183, %get3A_184, %get3A_185] : memref<1x1x1024xi32, #tpu.memory_space<smem>>
      %max3A_187 = arith.constant 0 : i32
      %max3A_188 = arith.maxsi %get3A_186, %max3A_187 : i32
      %get3A_189 = arith.index_cast %max3A_188 : i32 to index
      %get3A_190 = arith.constant 0 : index
      %get3A_191 = vector.load %arg3[%get3A_189, %get3A_190] : memref<32768x128xf32, #tpu.memory_space<vmem>>, vector<1x128xf32>
      %swap3A_192 = arith.index_cast %scan3A_182 : i32 to index
      %swap3A_193 = arith.constant 0 : index
      %swap3A_194 = vector.load %arg9[%swap3A_192, %swap3A_193] : memref<1024x128xf32, #tpu.memory_space<vmem>>, vector<1x128xf32>
      tpu.vector_store %arg9[%swap3A_192, %swap3A_193], %get3A_191 {strides = array<i32>} : memref<1024x128xf32, #tpu.memory_space<vmem>>, vector<1x128xf32>,
      %scan3A_195 = arith.constant 12 : i32
      %scan3A_196 = arith.addi %scan3A_29, %scan3A_195 : i32
      %get3A_197 = arith.constant 0 : index
      %get3A_198 = arith.constant 0 : index
      %get3A_199 = arith.index_cast %scan3A_196 : i32 to index
      %get3A_200 = memref.load %arg1[%get3A_197, %get3A_198, %get3A_199] : memref<1x1x1024xi32, #tpu.memory_space<smem>>
      %max3A_201 = arith.constant 0 : i32
      %max3A_202 = arith.maxsi %get3A_200, %max3A_201 : i32
      %get3A_203 = arith.index_cast %max3A_202 : i32 to index
      %get3A_204 = arith.constant 0 : index
      %get3A_205 = vector.load %arg3[%get3A_203, %get3A_204] : memref<32768x128xf32, #tpu.memory_space<vmem>>, vector<1x128xf32>
      %swap3A_206 = arith.index_cast %scan3A_196 : i32 to index
      %swap3A_207 = arith.constant 0 : index
      %swap3A_208 = vector.load %arg9[%swap3A_206, %swap3A_207] : memref<1024x128xf32, #tpu.memory_space<vmem>>, vector<1x128xf32>
      tpu.vector_store %arg9[%swap3A_206, %swap3A_207], %get3A_205 {strides = array<i32>} : memref<1024x128xf32, #tpu.memory_space<vmem>>, vector<1x128xf32>,
      %scan3A_209 = arith.constant 13 : i32
      %scan3A_210 = arith.addi %scan3A_29, %scan3A_209 : i32
      %get3A_211 = arith.constant 0 : index
      %get3A_212 = arith.constant 0 : index
      %get3A_213 = arith.index_cast %scan3A_210 : i32 to index
      %get3A_214 = memref.load %arg1[%get3A_211, %get3A_212, %get3A_213] : memref<1x1x1024xi32, #tpu.memory_space<smem>>
      %max3A_215 = arith.constant 0 : i32
      %max3A_216 = arith.maxsi %get3A_214, %max3A_215 : i32
      %get3A_217 = arith.index_cast %max3A_216 : i32 to index
      %get3A_218 = arith.constant 0 : index
      %get3A_219 = vector.load %arg3[%get3A_217, %get3A_218] : memref<32768x128xf32, #tpu.memory_space<vmem>>, vector<1x128xf32>
      %swap3A_220 = arith.index_cast %scan3A_210 : i32 to index
      %swap3A_221 = arith.constant 0 : index
      %swap3A_222 = vector.load %arg9[%swap3A_220, %swap3A_221] : memref<1024x128xf32, #tpu.memory_space<vmem>>, vector<1x128xf32>
      tpu.vector_store %arg9[%swap3A_220, %swap3A_221], %get3A_219 {strides = array<i32>} : memref<1024x128xf32, #tpu.memory_space<vmem>>, vector<1x128xf32>,
      %scan3A_223 = arith.constant 14 : i32
      %scan3A_224 = arith.addi %scan3A_29, %scan3A_223 : i32
      %get3A_225 = arith.constant 0 : index
      %get3A_226 = arith.constant 0 : index
      %get3A_227 = arith.index_cast %scan3A_224 : i32 to index
      %get3A_228 = memref.load %arg1[%get3A_225, %get3A_226, %get3A_227] : memref<1x1x1024xi32, #tpu.memory_space<smem>>
      %max3A_229 = arith.constant 0 : i32
      %max3A_230 = arith.maxsi %get3A_228, %max3A_229 : i32
      %get3A_231 = arith.index_cast %max3A_230 : i32 to index
      %get3A_232 = arith.constant 0 : index
      %get3A_233 = vector.load %arg3[%get3A_231, %get3A_232] : memref<32768x128xf32, #tpu.memory_space<vmem>>, vector<1x128xf32>
      %swap3A_234 = arith.index_cast %scan3A_224 : i32 to index
      %swap3A_235 = arith.constant 0 : index
      %swap3A_236 = vector.load %arg9[%swap3A_234, %swap3A_235] : memref<1024x128xf32, #tpu.memory_space<vmem>>, vector<1x128xf32>
      tpu.vector_store %arg9[%swap3A_234, %swap3A_235], %get3A_233 {strides = array<i32>} : memref<1024x128xf32, #tpu.memory_space<vmem>>, vector<1x128xf32>,
      %scan3A_237 = arith.constant 15 : i32
      %scan3A_238 = arith.addi %scan3A_29, %scan3A_237 : i32
      %get3A_239 = arith.constant 0 : index
      %get3A_240 = arith.constant 0 : index
      %get3A_241 = arith.index_cast %scan3A_238 : i32 to index
      %get3A_242 = memref.load %arg1[%get3A_239, %get3A_240, %get3A_241] : memref<1x1x1024xi32, #tpu.memory_space<smem>>
      %max3A_243 = arith.constant 0 : i32
      %max3A_244 = arith.maxsi %get3A_242, %max3A_243 : i32
      %get3A_245 = arith.index_cast %max3A_244 : i32 to index
      %get3A_246 = arith.constant 0 : index
      %get3A_247 = vector.load %arg3[%get3A_245, %get3A_246] : memref<32768x128xf32, #tpu.memory_space<vmem>>, vector<1x128xf32>
      %swap3A_248 = arith.index_cast %scan3A_238 : i32 to index
      %swap3A_249 = arith.constant 0 : index
      %swap3A_250 = vector.load %arg9[%swap3A_248, %swap3A_249] : memref<1024x128xf32, #tpu.memory_space<vmem>>, vector<1x128xf32>
      tpu.vector_store %arg9[%swap3A_248, %swap3A_249], %get3A_247 {strides = array<i32>} : memref<1024x128xf32, #tpu.memory_space<vmem>>, vector<1x128xf32>,
    }
    %scan3A_3 = arith.constant 1024 : i32
    %scan3A_4 = arith.constant 0 : i32
    %scan3A_5 = arith.constant 1024 : i32
    %scan3A_6 = arith.addi %scan3A_4, %scan3A_5 : i32
    %scan3A_7 = arith.constant 16 : i32
    scf.for %scan3A_29 = %scan3A_4 to %scan3A_6 step %scan3A_7  : i32 {
      %get3A_30 = arith.constant 0 : index
      %get3A_31 = arith.constant 0 : index
      %get3A_32 = arith.index_cast %scan3A_29 : i32 to index
      %get3A_33 = memref.load %arg2[%get3A_30, %get3A_31, %get3A_32] : memref<1x1x1024xi32, #tpu.memory_space<smem>>
      %get3A_34 = arith.index_cast %get3A_33 : i32 to index
      %get3A_35 = arith.constant 0 : index
      %get3A_36 = vector.load %arg6[%get3A_34, %get3A_35] : memref<32768x256xf32, #tpu.memory_space<vmem>>, vector<1x256xf32>
      %swap3A_37 = arith.index_cast %scan3A_29 : i32 to index
      %swap3A_38 = arith.constant 0 : index
      %swap3A_39 = vector.load %arg10[%swap3A_37, %swap3A_38] : memref<1024x256xf32, #tpu.memory_space<vmem>>, vector<1x256xf32>
      tpu.vector_store %arg10[%swap3A_37, %swap3A_38], %get3A_36 {strides = array<i32>} : memref<1024x256xf32, #tpu.memory_space<vmem>>, vector<1x256xf32>,
      %scan3A_40 = arith.constant 1 : i32
      %scan3A_41 = arith.addi %scan3A_29, %scan3A_40 : i32
      %get3A_42 = arith.constant 0 : index
      %get3A_43 = arith.constant 0 : index
      %get3A_44 = arith.index_cast %scan3A_41 : i32 to index
      %get3A_45 = memref.load %arg2[%get3A_42, %get3A_43, %get3A_44] : memref<1x1x1024xi32, #tpu.memory_space<smem>>
      %get3A_46 = arith.index_cast %get3A_45 : i32 to index
      %get3A_47 = arith.constant 0 : index
      %get3A_48 = vector.load %arg6[%get3A_46, %get3A_47] : memref<32768x256xf32, #tpu.memory_space<vmem>>, vector<1x256xf32>
      %swap3A_49 = arith.index_cast %scan3A_41 : i32 to index
      %swap3A_50 = arith.constant 0 : index
      %swap3A_51 = vector.load %arg10[%swap3A_49, %swap3A_50] : memref<1024x256xf32, #tpu.memory_space<vmem>>, vector<1x256xf32>
      tpu.vector_store %arg10[%swap3A_49, %swap3A_50], %get3A_48 {strides = array<i32>} : memref<1024x256xf32, #tpu.memory_space<vmem>>, vector<1x256xf32>,
      %scan3A_52 = arith.constant 2 : i32
      %scan3A_53 = arith.addi %scan3A_29, %scan3A_52 : i32
      %get3A_54 = arith.constant 0 : index
      %get3A_55 = arith.constant 0 : index
      %get3A_56 = arith.index_cast %scan3A_53 : i32 to index
      %get3A_57 = memref.load %arg2[%get3A_54, %get3A_55, %get3A_56] : memref<1x1x1024xi32, #tpu.memory_space<smem>>
      %get3A_58 = arith.index_cast %get3A_57 : i32 to index
      %get3A_59 = arith.constant 0 : index
      %get3A_60 = vector.load %arg6[%get3A_58, %get3A_59] : memref<32768x256xf32, #tpu.memory_space<vmem>>, vector<1x256xf32>
      %swap3A_61 = arith.index_cast %scan3A_53 : i32 to index
      %swap3A_62 = arith.constant 0 : index
      %swap3A_63 = vector.load %arg10[%swap3A_61, %swap3A_62] : memref<1024x256xf32, #tpu.memory_space<vmem>>, vector<1x256xf32>
      tpu.vector_store %arg10[%swap3A_61, %swap3A_62], %get3A_60 {strides = array<i32>} : memref<1024x256xf32, #tpu.memory_space<vmem>>, vector<1x256xf32>,
      %scan3A_64 = arith.constant 3 : i32
      %scan3A_65 = arith.addi %scan3A_29, %scan3A_64 : i32
      %get3A_66 = arith.constant 0 : index
      %get3A_67 = arith.constant 0 : index
      %get3A_68 = arith.index_cast %scan3A_65 : i32 to index
      %get3A_69 = memref.load %arg2[%get3A_66, %get3A_67, %get3A_68] : memref<1x1x1024xi32, #tpu.memory_space<smem>>
      %get3A_70 = arith.index_cast %get3A_69 : i32 to index
      %get3A_71 = arith.constant 0 : index
      %get3A_72 = vector.load %arg6[%get3A_70, %get3A_71] : memref<32768x256xf32, #tpu.memory_space<vmem>>, vector<1x256xf32>
      %swap3A_73 = arith.index_cast %scan3A_65 : i32 to index
      %swap3A_74 = arith.constant 0 : index
      %swap3A_75 = vector.load %arg10[%swap3A_73, %swap3A_74] : memref<1024x256xf32, #tpu.memory_space<vmem>>, vector<1x256xf32>
      tpu.vector_store %arg10[%swap3A_73, %swap3A_74], %get3A_72 {strides = array<i32>} : memref<1024x256xf32, #tpu.memory_space<vmem>>, vector<1x256xf32>,
      %scan3A_76 = arith.constant 4 : i32
      %scan3A_77 = arith.addi %scan3A_29, %scan3A_76 : i32
      %get3A_78 = arith.constant 0 : index
      %get3A_79 = arith.constant 0 : index
      %get3A_80 = arith.index_cast %scan3A_77 : i32 to index
      %get3A_81 = memref.load %arg2[%get3A_78, %get3A_79, %get3A_80] : memref<1x1x1024xi32, #tpu.memory_space<smem>>
      %get3A_82 = arith.index_cast %get3A_81 : i32 to index
      %get3A_83 = arith.constant 0 : index
      %get3A_84 = vector.load %arg6[%get3A_82, %get3A_83] : memref<32768x256xf32, #tpu.memory_space<vmem>>, vector<1x256xf32>
      %swap3A_85 = arith.index_cast %scan3A_77 : i32 to index
      %swap3A_86 = arith.constant 0 : index
      %swap3A_87 = vector.load %arg10[%swap3A_85, %swap3A_86] : memref<1024x256xf32, #tpu.memory_space<vmem>>, vector<1x256xf32>
      tpu.vector_store %arg10[%swap3A_85, %swap3A_86], %get3A_84 {strides = array<i32>} : memref<1024x256xf32, #tpu.memory_space<vmem>>, vector<1x256xf32>,
      %scan3A_88 = arith.constant 5 : i32
      %scan3A_89 = arith.addi %scan3A_29, %scan3A_88 : i32
      %get3A_90 = arith.constant 0 : index
      %get3A_91 = arith.constant 0 : index
      %get3A_92 = arith.index_cast %scan3A_89 : i32 to index
      %get3A_93 = memref.load %arg2[%get3A_90, %get3A_91, %get3A_92] : memref<1x1x1024xi32, #tpu.memory_space<smem>>
      %get3A_94 = arith.index_cast %get3A_93 : i32 to index
      %get3A_95 = arith.constant 0 : index
      %get3A_96 = vector.load %arg6[%get3A_94, %get3A_95] : memref<32768x256xf32, #tpu.memory_space<vmem>>, vector<1x256xf32>
      %swap3A_97 = arith.index_cast %scan3A_89 : i32 to index
      %swap3A_98 = arith.constant 0 : index
      %swap3A_99 = vector.load %arg10[%swap3A_97, %swap3A_98] : memref<1024x256xf32, #tpu.memory_space<vmem>>, vector<1x256xf32>
      tpu.vector_store %arg10[%swap3A_97, %swap3A_98], %get3A_96 {strides = array<i32>} : memref<1024x256xf32, #tpu.memory_space<vmem>>, vector<1x256xf32>,
      %scan3A_100 = arith.constant 6 : i32
      %scan3A_101 = arith.addi %scan3A_29, %scan3A_100 : i32
      %get3A_102 = arith.constant 0 : index
      %get3A_103 = arith.constant 0 : index
      %get3A_104 = arith.index_cast %scan3A_101 : i32 to index
      %get3A_105 = memref.load %arg2[%get3A_102, %get3A_103, %get3A_104] : memref<1x1x1024xi32, #tpu.memory_space<smem>>
      %get3A_106 = arith.index_cast %get3A_105 : i32 to index
      %get3A_107 = arith.constant 0 : index
      %get3A_108 = vector.load %arg6[%get3A_106, %get3A_107] : memref<32768x256xf32, #tpu.memory_space<vmem>>, vector<1x256xf32>
      %swap3A_109 = arith.index_cast %scan3A_101 : i32 to index
      %swap3A_110 = arith.constant 0 : index
      %swap3A_111 = vector.load %arg10[%swap3A_109, %swap3A_110] : memref<1024x256xf32, #tpu.memory_space<vmem>>, vector<1x256xf32>
      tpu.vector_store %arg10[%swap3A_109, %swap3A_110], %get3A_108 {strides = array<i32>} : memref<1024x256xf32, #tpu.memory_space<vmem>>, vector<1x256xf32>,
      %scan3A_112 = arith.constant 7 : i32
      %scan3A_113 = arith.addi %scan3A_29, %scan3A_112 : i32
      %get3A_114 = arith.constant 0 : index
      %get3A_115 = arith.constant 0 : index
      %get3A_116 = arith.index_cast %scan3A_113 : i32 to index
      %get3A_117 = memref.load %arg2[%get3A_114, %get3A_115, %get3A_116] : memref<1x1x1024xi32, #tpu.memory_space<smem>>
      %get3A_118 = arith.index_cast %get3A_117 : i32 to index
      %get3A_119 = arith.constant 0 : index
      %get3A_120 = vector.load %arg6[%get3A_118, %get3A_119] : memref<32768x256xf32, #tpu.memory_space<vmem>>, vector<1x256xf32>
      %swap3A_121 = arith.index_cast %scan3A_113 : i32 to index
      %swap3A_122 = arith.constant 0 : index
      %swap3A_123 = vector.load %arg10[%swap3A_121, %swap3A_122] : memref<1024x256xf32, #tpu.memory_space<vmem>>, vector<1x256xf32>
      tpu.vector_store %arg10[%swap3A_121, %swap3A_122], %get3A_120 {strides = array<i32>} : memref<1024x256xf32, #tpu.memory_space<vmem>>, vector<1x256xf32>,
      %scan3A_124 = arith.constant 8 : i32
      %scan3A_125 = arith.addi %scan3A_29, %scan3A_124 : i32
      %get3A_126 = arith.constant 0 : index
      %get3A_127 = arith.constant 0 : index
      %get3A_128 = arith.index_cast %scan3A_125 : i32 to index
      %get3A_129 = memref.load %arg2[%get3A_126, %get3A_127, %get3A_128] : memref<1x1x1024xi32, #tpu.memory_space<smem>>
      %get3A_130 = arith.index_cast %get3A_129 : i32 to index
      %get3A_131 = arith.constant 0 : index
      %get3A_132 = vector.load %arg6[%get3A_130, %get3A_131] : memref<32768x256xf32, #tpu.memory_space<vmem>>, vector<1x256xf32>
      %swap3A_133 = arith.index_cast %scan3A_125 : i32 to index
      %swap3A_134 = arith.constant 0 : index
      %swap3A_135 = vector.load %arg10[%swap3A_133, %swap3A_134] : memref<1024x256xf32, #tpu.memory_space<vmem>>, vector<1x256xf32>
      tpu.vector_store %arg10[%swap3A_133, %swap3A_134], %get3A_132 {strides = array<i32>} : memref<1024x256xf32, #tpu.memory_space<vmem>>, vector<1x256xf32>,
      %scan3A_136 = arith.constant 9 : i32
      %scan3A_137 = arith.addi %scan3A_29, %scan3A_136 : i32
      %get3A_138 = arith.constant 0 : index
      %get3A_139 = arith.constant 0 : index
      %get3A_140 = arith.index_cast %scan3A_137 : i32 to index
      %get3A_141 = memref.load %arg2[%get3A_138, %get3A_139, %get3A_140] : memref<1x1x1024xi32, #tpu.memory_space<smem>>
      %get3A_142 = arith.index_cast %get3A_141 : i32 to index
      %get3A_143 = arith.constant 0 : index
      %get3A_144 = vector.load %arg6[%get3A_142, %get3A_143] : memref<32768x256xf32, #tpu.memory_space<vmem>>, vector<1x256xf32>
      %swap3A_145 = arith.index_cast %scan3A_137 : i32 to index
      %swap3A_146 = arith.constant 0 : index
      %swap3A_147 = vector.load %arg10[%swap3A_145, %swap3A_146] : memref<1024x256xf32, #tpu.memory_space<vmem>>, vector<1x256xf32>
      tpu.vector_store %arg10[%swap3A_145, %swap3A_146], %get3A_144 {strides = array<i32>} : memref<1024x256xf32, #tpu.memory_space<vmem>>, vector<1x256xf32>,
      %scan3A_148 = arith.constant 10 : i32
      %scan3A_149 = arith.addi %scan3A_29, %scan3A_148 : i32
      %get3A_150 = arith.constant 0 : index
      %get3A_151 = arith.constant 0 : index
      %get3A_152 = arith.index_cast %scan3A_149 : i32 to index
      %get3A_153 = memref.load %arg2[%get3A_150, %get3A_151, %get3A_152] : memref<1x1x1024xi32, #tpu.memory_space<smem>>
      %get3A_154 = arith.index_cast %get3A_153 : i32 to index
      %get3A_155 = arith.constant 0 : index
      %get3A_156 = vector.load %arg6[%get3A_154, %get3A_155] : memref<32768x256xf32, #tpu.memory_space<vmem>>, vector<1x256xf32>
      %swap3A_157 = arith.index_cast %scan3A_149 : i32 to index
      %swap3A_158 = arith.constant 0 : index
      %swap3A_159 = vector.load %arg10[%swap3A_157, %swap3A_158] : memref<1024x256xf32, #tpu.memory_space<vmem>>, vector<1x256xf32>
      tpu.vector_store %arg10[%swap3A_157, %swap3A_158], %get3A_156 {strides = array<i32>} : memref<1024x256xf32, #tpu.memory_space<vmem>>, vector<1x256xf32>,
      %scan3A_160 = arith.constant 11 : i32
      %scan3A_161 = arith.addi %scan3A_29, %scan3A_160 : i32
      %get3A_162 = arith.constant 0 : index
      %get3A_163 = arith.constant 0 : index
      %get3A_164 = arith.index_cast %scan3A_161 : i32 to index
      %get3A_165 = memref.load %arg2[%get3A_162, %get3A_163, %get3A_164] : memref<1x1x1024xi32, #tpu.memory_space<smem>>
      %get3A_166 = arith.index_cast %get3A_165 : i32 to index
      %get3A_167 = arith.constant 0 : index
      %get3A_168 = vector.load %arg6[%get3A_166, %get3A_167] : memref<32768x256xf32, #tpu.memory_space<vmem>>, vector<1x256xf32>
      %swap3A_169 = arith.index_cast %scan3A_161 : i32 to index
      %swap3A_170 = arith.constant 0 : index
      %swap3A_171 = vector.load %arg10[%swap3A_169, %swap3A_170] : memref<1024x256xf32, #tpu.memory_space<vmem>>, vector<1x256xf32>
      tpu.vector_store %arg10[%swap3A_169, %swap3A_170], %get3A_168 {strides = array<i32>} : memref<1024x256xf32, #tpu.memory_space<vmem>>, vector<1x256xf32>,
      %scan3A_172 = arith.constant 12 : i32
      %scan3A_173 = arith.addi %scan3A_29, %scan3A_172 : i32
      %get3A_174 = arith.constant 0 : index
      %get3A_175 = arith.constant 0 : index
      %get3A_176 = arith.index_cast %scan3A_173 : i32 to index
      %get3A_177 = memref.load %arg2[%get3A_174, %get3A_175, %get3A_176] : memref<1x1x1024xi32, #tpu.memory_space<smem>>
      %get3A_178 = arith.index_cast %get3A_177 : i32 to index
      %get3A_179 = arith.constant 0 : index
      %get3A_180 = vector.load %arg6[%get3A_178, %get3A_179] : memref<32768x256xf32, #tpu.memory_space<vmem>>, vector<1x256xf32>
      %swap3A_181 = arith.index_cast %scan3A_173 : i32 to index
      %swap3A_182 = arith.constant 0 : index
      %swap3A_183 = vector.load %arg10[%swap3A_181, %swap3A_182] : memref<1024x256xf32, #tpu.memory_space<vmem>>, vector<1x256xf32>
      tpu.vector_store %arg10[%swap3A_181, %swap3A_182], %get3A_180 {strides = array<i32>} : memref<1024x256xf32, #tpu.memory_space<vmem>>, vector<1x256xf32>,
      %scan3A_184 = arith.constant 13 : i32
      %scan3A_185 = arith.addi %scan3A_29, %scan3A_184 : i32
      %get3A_186 = arith.constant 0 : index
      %get3A_187 = arith.constant 0 : index
      %get3A_188 = arith.index_cast %scan3A_185 : i32 to index
      %get3A_189 = memref.load %arg2[%get3A_186, %get3A_187, %get3A_188] : memref<1x1x1024xi32, #tpu.memory_space<smem>>
      %get3A_190 = arith.index_cast %get3A_189 : i32 to index
      %get3A_191 = arith.constant 0 : index
      %get3A_192 = vector.load %arg6[%get3A_190, %get3A_191] : memref<32768x256xf32, #tpu.memory_space<vmem>>, vector<1x256xf32>
      %swap3A_193 = arith.index_cast %scan3A_185 : i32 to index
      %swap3A_194 = arith.constant 0 : index
      %swap3A_195 = vector.load %arg10[%swap3A_193, %swap3A_194] : memref<1024x256xf32, #tpu.memory_space<vmem>>, vector<1x256xf32>
      tpu.vector_store %arg10[%swap3A_193, %swap3A_194], %get3A_192 {strides = array<i32>} : memref<1024x256xf32, #tpu.memory_space<vmem>>, vector<1x256xf32>,
      %scan3A_196 = arith.constant 14 : i32
      %scan3A_197 = arith.addi %scan3A_29, %scan3A_196 : i32
      %get3A_198 = arith.constant 0 : index
      %get3A_199 = arith.constant 0 : index
      %get3A_200 = arith.index_cast %scan3A_197 : i32 to index
      %get3A_201 = memref.load %arg2[%get3A_198, %get3A_199, %get3A_200] : memref<1x1x1024xi32, #tpu.memory_space<smem>>
      %get3A_202 = arith.index_cast %get3A_201 : i32 to index
      %get3A_203 = arith.constant 0 : index
      %get3A_204 = vector.load %arg6[%get3A_202, %get3A_203] : memref<32768x256xf32, #tpu.memory_space<vmem>>, vector<1x256xf32>
      %swap3A_205 = arith.index_cast %scan3A_197 : i32 to index
      %swap3A_206 = arith.constant 0 : index
      %swap3A_207 = vector.load %arg10[%swap3A_205, %swap3A_206] : memref<1024x256xf32, #tpu.memory_space<vmem>>, vector<1x256xf32>
      tpu.vector_store %arg10[%swap3A_205, %swap3A_206], %get3A_204 {strides = array<i32>} : memref<1024x256xf32, #tpu.memory_space<vmem>>, vector<1x256xf32>,
      %scan3A_208 = arith.constant 15 : i32
      %scan3A_209 = arith.addi %scan3A_29, %scan3A_208 : i32
      %get3A_210 = arith.constant 0 : index
      %get3A_211 = arith.constant 0 : index
      %get3A_212 = arith.index_cast %scan3A_209 : i32 to index
      %get3A_213 = memref.load %arg2[%get3A_210, %get3A_211, %get3A_212] : memref<1x1x1024xi32, #tpu.memory_space<smem>>
      %get3A_214 = arith.index_cast %get3A_213 : i32 to index
      %get3A_215 = arith.constant 0 : index
      %get3A_216 = vector.load %arg6[%get3A_214, %get3A_215] : memref<32768x256xf32, #tpu.memory_space<vmem>>, vector<1x256xf32>
      %swap3A_217 = arith.index_cast %scan3A_209 : i32 to index
      %swap3A_218 = arith.constant 0 : index
      %swap3A_219 = vector.load %arg10[%swap3A_217, %swap3A_218] : memref<1024x256xf32, #tpu.memory_space<vmem>>, vector<1x256xf32>
      tpu.vector_store %arg10[%swap3A_217, %swap3A_218], %get3A_216 {strides = array<i32>} : memref<1024x256xf32, #tpu.memory_space<vmem>>, vector<1x256xf32>,
    }
    %scan3A_8 = arith.constant 1024 : i32
    %get3A = arith.constant 0 : index
    %get3A_9 = arith.constant 0 : index
    %get3A_10 = vector.load %arg9[%get3A, %get3A_9] : memref<1024x128xf32, #tpu.memory_space<vmem>>, vector<1024x128xf32>
    %get3A_11 = arith.constant 0 : index
    %get3A_12 = arith.constant 0 : index
    %get3A_13 = vector.load %arg4[%get3A_11, %get3A_12] : memref<128x256xf32, #tpu.memory_space<vmem>>, vector<128x256xf32>
    %dot_general3A = arith.constant dense<0.000000e+00> : vector<1024x256xf32>
    %dot_general3A_14 = tpu.matmul %get3A_10, %get3A_13, %dot_general3A {dimension_numbers = #tpu.dot_dimension_numbers<[1], [0], [0], [1], [0, 0, 1, 1], [], []>, transpose_lhs_hint = false} : vector<1024x128xf32>, vector<128x256xf32>, vector<1024x256xf32> -> vector<1024x256xf32>
    %get3A_15 = arith.constant 0 : index
    %get3A_16 = arith.constant 0 : index
    %get3A_17 = vector.load %arg5[%get3A_15, %get3A_16] : memref<1x256xf32, #tpu.memory_space<vmem>>, vector<1x256xf32>
    %add3A = vector.broadcast %get3A_17 : vector<1x256xf32> to vector<1024x256xf32>
    %add3A_18 = arith.addf %dot_general3A_14, %add3A : vector<1024x256xf32>
    %get3A_19 = arith.constant 0 : index
    %get3A_20 = arith.constant 0 : index
    %get3A_21 = vector.load %arg10[%get3A_19, %get3A_20] : memref<1024x256xf32, #tpu.memory_space<vmem>>, vector<1024x256xf32>
    %add3A_22 = arith.addf %add3A_18, %get3A_21 : vector<1024x256xf32>
    %get3A_23 = arith.constant 0 : index
    %get3A_24 = arith.constant 0 : index
    %get3A_25 = vector.load %arg7[%get3A_23, %get3A_24] : memref<1024x1xf32, #tpu.memory_space<vmem>>, vector<1024x1xf32>
    %mul3A = vector.broadcast %get3A_25 : vector<1024x1xf32> to vector<1024x256xf32>
    %mul3A_26 = arith.mulf %add3A_22, %mul3A : vector<1024x256xf32>
    %swap3A = arith.constant 0 : index
    %swap3A_27 = arith.constant 0 : index
    %swap3A_28 = vector.load %arg8[%swap3A, %swap3A_27] : memref<1024x256xf32, #tpu.memory_space<vmem>>, vector<1024x256xf32>
    tpu.vector_store %arg8[%swap3A, %swap3A_27], %mul3A_26 {strides = array<i32>} : memref<1024x256xf32, #tpu.memory_space<vmem>>, vector<1024x256xf32>,
    return
  }
  func.func @transform_0(%arg0: i32) -> (i32, i32, i32) {
    %c0_i32 = arith.constant 0 : i32
    %c0_i32_0 = arith.constant 0 : i32
    %c0_i32_1 = arith.constant 0 : i32
    return %arg0, %c0_i32, %c0_i32_0 : i32, i32, i32
  }
  func.func @transform_1(%arg0: i32) -> (i32, i32, i32) {
    %c0_i32 = arith.constant 0 : i32
    %c0_i32_0 = arith.constant 0 : i32
    %c0_i32_1 = arith.constant 0 : i32
    return %arg0, %c0_i32, %c0_i32_0 : i32, i32, i32
  }
  func.func @transform_2(%arg0: i32) -> (i32, i32) {
    %c0_i32 = arith.constant 0 : i32
    %c0_i32_0 = arith.constant 0 : i32
    %c0_i32_1 = arith.constant 0 : i32
    return %c0_i32, %c0_i32_0 : i32, i32
  }
  func.func @transform_3(%arg0: i32) -> (i32, i32) {
    %c0_i32 = arith.constant 0 : i32
    %c0_i32_0 = arith.constant 0 : i32
    %c0_i32_1 = arith.constant 0 : i32
    return %c0_i32, %c0_i32_0 : i32, i32
  }
  func.func @transform_4(%arg0: i32) -> (i32, i32) {
    %c0_i32 = arith.constant 0 : i32
    %c0_i32_0 = arith.constant 0 : i32
    %c0_i32_1 = arith.constant 0 : i32
    return %c0_i32, %c0_i32_0 : i32, i32
  }
  func.func @transform_5(%arg0: i32) -> (i32, i32) {
    %c0_i32 = arith.constant 0 : i32
    %c0_i32_0 = arith.constant 0 : i32
    %c0_i32_1 = arith.constant 0 : i32
    return %c0_i32, %c0_i32_0 : i32, i32
  }
  func.func @transform_6(%arg0: i32) -> (i32, i32) {
    %c0_i32 = arith.constant 0 : i32
    %c0_i32_0 = arith.constant 0 : i32
    return %arg0, %c0_i32 : i32, i32
  }
  func.func @transform_7(%arg0: i32) -> (i32, i32) {
    %c0_i32 = arith.constant 0 : i32
    %c0_i32_0 = arith.constant 0 : i32
    return %arg0, %c0_i32 : i32, i32
  }
}

</mosaic_0001>

<sc_bundles>
// kernel: kernel.4.cloned.1.call-start
scs
__scs_entry_jumppad:
0x0: {  	(pc) =	sbr.rel $0x88, $3  }
0x1: {  	(tag) =	ssettag $0x0;
	lr =	simm.s32 $0x1  }
0x2: {  	[smem:$0x3F9B] =	sst lr;
	_ =	strace $0xD0000000  }
0x3: {  	_ = 	snop  }
0x4: {  	_ = 	snop  }
0x5: {  	_ = 	snop  }
0x6: {  	_ = 	snop  }
0x7: {  	_ = 	snop  }
__scs_overlays_trampoline_lowered:
0x8: {  	[smem:$0x3FAA] =	sst s0  }
0x9: {  	[smem:$0x3FAB] =	sst s1  }
0xa: {  	[smem:$0x3FAC] =	sst s2  }
0xb: {  	[smem:$0x3FAD] =	sst s3  }
0xc: {  	[smem:$0x3FAE] =	sst s4  }
0xd: {  	[smem:$0x3FAF] =	sst s5  }
0xe: {  	[smem:$0x3FB0] =	sst s6  }
0xf: {  	[smem:$0x3FB1] =	sst s7  }
0x10: {  	[smem:$0x3FB2] =	sst s8  }
0x11: {  	[smem:$0x3FB3] =	sst s9;
	s0 =	simm.s32 @!p0 $0x0  }
0x12: {  	s1 =	sld [smem:$0x3F99];
	s0 =	simm.s32 @p0 $0x1  }
0x13: {  	[smem:$0x3FB4] =	sst s0;
	s0 =	simm.s32 @!p1 $0x0  }
0x14: {  	s2 =	sld [smem:$0x3F98];
	s0 =	simm.s32 @p1 $0x1  }
0x15: {  	[smem:$0x3FB5] =	sst s0;
	s0 =	simm.s32 @!p2 $0x0  }
0x16: {  	s3 =	sld [smem:$0x3FDB];
	s0 =	simm.s32 @p2 $0x1  }
0x17: {  	s4 =	simm.s32 $0x1BF5;
	[smem:$0x3FB7] =	sst s0  }
0x18: {  	s0 =	sld [smem:$0x3F9A];
	_ =	swait.ge [sflag:s4], $0x0  }
0x19: {  	s7 =	sld [smem:$0x3F9B]  }
0x1a: {  	s8 =	sadd.s32 $0xFFFFE003, lr  }
0x1b: {  	s9 =	sadd.s32 $0xFFFFFEF7, lr;
	s5 =	simm.s32 $0xFFFFFFFF;
	p2 =	slt.u32 s8, $0xFFFFF086  }
0x1c: {  	p1 =	slt.u32 s9, $0xF7A;
	s5 =	simm.s32 @!p2 $0x0  }
0x1d: {  	s5 =	simm.s32 @p1 $0x1;
	p0 =	seq.s32 s7, s2  }
0x1e: {  	s7 =	smul.u32 @!p0 $0xF7A, s2;
	p2 =	seq.s32 @!p0 s5, $0x0  }
0x1f: {  	s9 =	smul.u32 $0xF7A, s1;
	s8 =	simm.s32 @!p0 $0x1BF5;
	p2 =	por !p2, p0  }
0x20: {  	[sflag:s8] =	ssyncset.s32 @!p0 $0xFFFFF086;
	s6 =	sadd.s32 @!p0 s3, s7;
	s7 =	simm.s32 @!p0 $0x108  }
0x21: {  	s3 =	sadd.s32 s3, s9;
	s6 =	sadd.s32 @!p0 $0x88, s6;
	s7 =	simm.s32 @p2 $0x1082  }
0x22: {  	[simem:s7], [sflag:s8] =	dma.local @!p0 [hbm:s6], $0xF7A  }
0x23: {  	s9 =	sor.u32 $0xD0000000, s2;
	s6 =	simm.s32 $0x108;
	_ =	swait.ge @!p0 [sflag:s8], $0x0  }
0x24: {  	s3 =	sadd.s32 $0x88, s3;
	s6 =	simm.s32 @!p1 $0x1082;
	[sflag:s4] =	ssyncset.s32 $0xFFFFF086  }
0x25: {  	[simem:s6], [sflag:s4] =	dma.local [hbm:s3], $0xF7A  }
0x26: {  	[smem:$0x3F9B] =	sst s1;
	(tag) =	ssettag s2;
	_ =	strace s9  }
0x27: {  	s1 =	sld [smem:$0x3FAB]  }
0x28: {  	s2 =	sld [smem:$0x3FAC]  }
0x29: {  	s4 =	sld [smem:$0x3FAE]  }
0x2a: {  	p0 =	seq.s32 s5, $0x0;
	s5 =	sld [smem:$0x3FAF]  }
0x2b: {  	s6 =	sld [smem:$0x3FB0]  }
0x2c: {  	s7 =	sld [smem:$0x3FB1]  }
0x2d: {  	s3 =	simm.s32 $0x108;
	s8 =	sld [smem:$0x3FB2]  }
0x2e: {  	s3 =	simm.s32 @!p0 $0x1082;
	s9 =	sld [smem:$0x3FB3]  }
0x2f: {  	lr =	sadd.s32 s0, s3;
	s0 =	sld [smem:$0x3FAA]  }
0x30: {  	s3 =	sld [smem:$0x3FAD]  }
0x31: {  	[smem:$0x3FB6] =	sst s10  }
0x32: {  	s10 =	sld [smem:$0x3FB4];
	_ =	sdelay $0x3  }
0x33: {  	p0 =	seq.s32 s10, $0x1;
	s10 =	sld [smem:$0x3FB6];
	_ =	sdelay $0x3  }
0x34: {  	[smem:$0x3FB6] =	sst s10  }
0x35: {  	s10 =	sld [smem:$0x3FB5];
	_ =	sdelay $0x3  }
0x36: {  	p1 =	seq.s32 s10, $0x1;
	s10 =	sld [smem:$0x3FB6];
	_ =	sdelay $0x3  }
0x37: {  	[smem:$0x3FB6] =	sst s10  }
0x38: {  	s10 =	sld [smem:$0x3FB7]  }
0x39: {  	_ = 	snop;
	(pc) =	sbr.ind lr, $3  }
0x3a: {  	_ = 	snop  }
0x3b: {  	_ = 	snop  }
0x3c: {  	p2 =	seq.s32 s10, $0x1;
	s10 =	sld [smem:$0x3FB6]  }
0x3d: {  	_ =	shalt  }
0x3e: {  	_ =	shalt  }
0x3f: {  	_ =	shalt  }
0x40: {  	_ =	shalt  }
0x41: {  	_ =	shalt  }
0x42: {  	_ =	shalt  }
0x43: {  	_ =	shalt  }
0x44: {  	_ =	shalt  }
0x45: {  	_ =	shalt  }
0x46: {  	_ =	shalt  }
0x47: {  	_ =	shalt  }
0x48: {  	_ =	shalt  }
0x49: {  	_ =	shalt  }
0x4a: {  	_ =	shalt  }
0x4b: {  	_ =	shalt  }
0x4c: {  	_ =	shalt  }
0x4d: {  	_ =	shalt  }
0x4e: {  	_ =	shalt  }
0x4f: {  	_ =	shalt  }
0x50: {  	_ =	shalt  }
0x51: {  	_ =	shalt  }
0x52: {  	_ =	shalt  }
0x53: {  	_ =	shalt  }
0x54: {  	_ =	shalt  }
0x55: {  	_ =	shalt  }
0x56: {  	_ =	shalt  }
0x57: {  	_ =	shalt  }
0x58: {  	_ =	shalt  }
0x59: {  	_ =	shalt  }
0x5a: {  	_ =	shalt  }
0x5b: {  	_ =	shalt  }
0x5c: {  	_ =	shalt  }
0x5d: {  	_ =	shalt  }
0x5e: {  	_ =	shalt  }
0x5f: {  	_ =	shalt  }
0x60: {  	_ =	shalt  }
0x61: {  	_ =	shalt  }
0x62: {  	_ =	shalt  }
0x63: {  	_ =	shalt  }
0x64: {  	_ =	shalt  }
0x65: {  	_ =	shalt  }
0x66: {  	_ =	shalt  }
0x67: {  	_ =	shalt  }
0x68: {  	_ =	shalt  }
0x69: {  	_ =	shalt  }
0x6a: {  	_ =	shalt  }
0x6b: {  	_ =	shalt  }
0x6c: {  	_ =	shalt  }
0x6d: {  	_ =	shalt  }
0x6e: {  	_ =	shalt  }
0x6f: {  	_ =	shalt  }
0x70: {  	_ =	shalt  }
0x71: {  	_ =	shalt  }
0x72: {  	_ =	shalt  }
0x73: {  	_ =	shalt  }
0x74: {  	_ =	shalt  }
0x75: {  	_ =	shalt  }
0x76: {  	_ =	shalt  }
0x77: {  	_ =	shalt  }
0x78: {  	_ =	shalt  }
0x79: {  	_ =	shalt  }
0x7a: {  	_ =	shalt  }
0x7b: {  	_ =	shalt  }
0x7c: {  	_ =	shalt  }
0x7d: {  	_ =	shalt  }
0x7e: {  	_ =	shalt  }
0x7f: {  	_ =	shalt  }
0x80: {  	_ =	shalt  }
0x81: {  	_ =	shalt  }
0x82: {  	_ =	shalt  }
0x83: {  	_ =	shalt  }
0x84: {  	_ =	shalt  }
0x85: {  	_ =	shalt  }
0x86: {  	_ =	shalt  }
0x87: {  	_ =	shalt  }
.Lfunc_end0:
.L_simem_size_0:
called_computation_lowered:
.L_overlay_start_0:
0x88: {  	s2 =	sld [smem:$0x3FD9]  }
0x89: {  	s3 =	sld [smem:$0x3FFE];
	_ =	sdelay $0x1  }
0x8a: {  	s1 =	srdreg.scid  }
0x8b: {  	s0 =	sand.u32 $0x1, s1  }
0x8c: {  	s17 =	sshll.u32 s0, $0xA;
	s2 =	sadd.s32 s3, s2  }
0x8d: {  	s2 =	sadd.s32 s2, s17  }
0x8e: {  	[smem:$0x3FC2] =	sst s2  }
0x8f: {  	_ = 	snop  }
0x90: {  	s2 =	sld [smem:$0x3FC8]  }
0x91: {  	s18 =	sld [smem:$0x3FC7]  }
0x92: {  	s4 =	sld [smem:$0x3FD0];
	(tm) =	ssettm $0x1  }
0x93: {  	s5 =	sld [smem:$0x3FFB];
	_ =	sdelay $0x3  }
0x94: {  	_ =	strace s5  }
0x95: {  	s5 =	sld [smem:$0x3FFC];
	_ =	sdelay $0x3  }
0x96: {  	_ =	strace s5  }
0x97: {  	s5 =	sld [smem:$0x3FFD];
	_ =	sdelay $0x3  }
0x98: {  	_ =	strace s5  }
0x99: {  	_ =	strace $0x8FFFFFFF  }
0x9a: {  	s19 =	sld [smem:$0x3FDB];
	_ =	sdelay $0x1  }
0x9b: {  	s6 =	simm.s32 $_scs_section_size  }
0x9c: {  	s7 =	simm.s32 $_size__tile_overlayer_lowered;
	s8 =	simm.s32 $_tile_overlayer_lowered  }
0x9d: {  	s22 =	simm.s32 $0x1BFF;
	s21 =	sshll.u32 s8, $0x1;
	s5 =	sadd.s32 s6, s19  }
0x9e: {  	s9 =	simm.s32 $0x0;
	s20 =	sshll.u32 s7, $0x1;
	s7 =	sadd.s32 s21, s5  }
0x9f: {  	[timem:s9], [sflag:s22] =	dma.local [hbm:s7], s20  }
0xa0: {  	_ =	swait.ge [sflag:s22], s20  }
0xa1: {  	s6 =	ssub.s32 $0x0, s20;
	[sflag:s22] =	ssyncset.done $0x0  }
0xa2: {  	[sflag:s22] =	ssyncadd.s32 s6;
	_ =	sdelay $0x1  }
0xa3: {  	s23 =	simm.s32 $0x1B8B  }
0xa4: {  	_ =	swait.ge [sflag:s23], $0x1  }
0xa5: {  	[sflag:s23] =	ssyncset.done $0x0  }
0xa6: {  	s25 =	simm.s32 $0x1B8E;
	s24 =	sld [smem:$0x3FFE];
	[sflag:s23] =	ssyncadd.s32 $0xFFFFFFFF  }
0xa7: {  	s26 =	simm.s32 $execute0_lowered;
	[smem:$0x3FD2] =	sst s25  }
0xa8: {  	s7 =	sshll.u32 s26, $0x1;
	_ =	strace $0x80000046;
	[dreg:$0x1] =	wrdreg $0xFFFFFFFF  }
0xa9: {  	s28 =	simm.s32 $_size_execute0_lowered;
	s5 =	sadd.s32 s5, s7;
	[dreg:$0x0] =	wrdreg $0x0  }
0xaa: {  	s7 =	sshll.u32 s28, $0x1;
	[dreg:$0x2] =	wrdreg s5  }
0xab: {  	[dreg:$0x3] =	wrdreg s7  }
0xac: {  	[dreg:$0x4] =	wrdreg $0xC0  }
0xad: {  	_ =	task [dreg:s9], $0x5FFFF  }
0xae: {  	[dreg:$0x1] =	wrdreg $0xFFFFFFFF  }
0xaf: {  	[dreg:$0x0] =	wrdreg $0x60  }
0xb0: {  	[dreg:$0x2] =	wrdreg s2  }
0xb1: {  	[dreg:$0x3] =	wrdreg s18  }
0xb2: {  	[dreg:$0x4] =	wrdreg s24  }
0xb3: {  	[dreg:$0x5] =	wrdreg s4  }
0xb4: {  	[dreg:$0x6] =	wrdreg $0x9  }
0xb5: {  	_ =	task.clear_ibuf [dreg:s9], $0x7FFFF;
	_ =	strace $0x90000046  }
0xb6: {  	s29 =	simm.s32 $0x9;
	_ =	strace $0x80000048  }
0xb7: {  	_ =	swait.ge [sflag:s29], $0x1  }
0xb8: {  	[sflag:s29] =	ssyncadd.s32 $0xFFFFFFFF  }
0xb9: {  	_ =	strace $0x90000048  }
0xba: {  	_ =	sfence  }
0xbb: {  	s30 =	sld [smem:$0x0];
	_ =	sdelay $0x2  }
0xbc: {  	s31 =	sshll.u32 s1, $0xD;
	s1 =	sshrl.u32 s1, $0x2  }
0xbd: {  	s3 =	sand.u32 $0x4000, s31;
	s1 =	sadd.s32 s1, s30  }
0xbe: {  	s0 =	sor.u32 s3, s0;
	s1 =	sshll.u32 s1, $0x11  }
0xbf: {  	s0 =	sor.u32 s1, s0  }
0xc0: {  	s0 =	sadd.s32 $0x8F2B, s0  }
0xc1: {  	[sflag:s0] =	ssyncadd.remote.s32 $0x1  }
0xc2: {  	_ =	sfence.sel $0xFFFF  }
0xc3: {  	[dreg:$0x0] =	wrdreg $0xFFFFFFFF;
	(pc) =	sbr.abs _section_cstart, $3  }
0xc4: {  	[dreg:$0x1] =	wrdreg $0xFFFFFFFF  }
0xc5: {  	_ =	task.clear_ibuf [dreg:s9], $0x2FFFF;
	_ =	strace $0x9FFFFFFF  }
0xc6: {  	(tm) =	ssettm $0x7FFFFFFF  }
0xc7: {  	_ =	shalt  }
tec
execute0_lowered:
.L_overlay_start_1:
0x0: {  	(tag) =	ssettag $0x1  }
0x1: {  	s0 =	rddreg [dreg:$0x0]  }
0x2: {  	s2 =	rddreg [dreg:$0x1]  }
0x3: {  	s5 =	rddreg [dreg:$0x2];
	s3 =	srdreg.scid  }
0x4: {  	s7 =	rddreg [dreg:$0x3];
	s1 =	stileid.u32;
	v0 =	vimm.s32 $0xFFEDCBA9;
	v1 =	vimm.s32 $0x87654321;
	s4 =	simm.s32 $0x0  }
0x5: {  	s12 =	simm.s32 $0x8800;
	s13 =	simm.s32 $0x0;
	s6 =	sand.u32 $0x1, s3;
	v0 =	vunpack.c.l.s4.s8 v0;
	v1 =	vunpack.c.l.s4.s8 v1  }
0x6: {  	s3 =	rddreg [dreg:$0x4];
	s8 =	sshll.u32 s1, $0xB;
	s9 =	sshll.u32 s6, $0xA  }
0x7: {  	[smem:$0x7FF] =	sst s4;
	s6 =	ssub.s32 $0x2, s6;
	s8 =	sor.u32 s9, s8;
	v0 =	vunpack.c.0.s8.s32 v0;
	v1 =	vunpack.c.0.s8.s32 v1  }
0x8: {  	_ =	strace $0x80000047;
	s10 =	sshrl.u32 s6, $0x1;
	s9 =	sshrl.u32 s8, $0x3  }
0x9: {  	s10 =	ssub.s32 s6, s10;
	s11 =	sadd.s32 s9, s5;
	s7 =	sadd.s32 s7, s9;
	v3 =	vcombine.low v1, v0  }
0xa: {  	v2 =	vlaneseq.u32;
	vm0 =	vcmask $0x3F3C;
	v0 =	vmov s8;
	s8 =	smax.u32 s10, $0x1;
	s9 =	simm.s32 $0x1;
	s10 =	simm.s32 $0x8000  }
0xb: {  	v4 =	vimm.f32 $0.0e+00;
	v1 =	vimm.s32 $0xFFFFFFFF;
	s5 =	sadd.s32 $0x800, s11;
	s6 =	sadd.s32 $0x1800, s11;
	s11 =	simm.s32 $0x8400;
	v3 =	vand.u32 $0xF, v3  }
.LBB2_1:
0xc: {  	[tilespmem:s4], [sflag:$0x1] =	stream.linear.gather [hbm4b:s0+s4], $0x8000, $0x38;
	[tilespmem:$0x8C00] =	vst v63  }
0xd: {  	_ =	swait.ge [sflag:s9], $0x8000  }
0xe: {  	[sflag:s9] =	ssyncset.done $0x0  }
0xf: {  	s14 =	simm.s32 $0x0;
	[sflag:s9] =	ssyncadd.s32 $0xFFFF8000  }
.LBB2_2:
0x10: {  	p0 =	sne.s32 s14, $0xFC0  }
.Ltmp0:
0x11: {  	_ = 	snop;
	(pc) =	sbr.rel @p0 .LBB2_2-.Ltmp0, $3  }
0x12: {  	_ =	sdelay $0x1  }
0x13: {  	s15 =	sshra.s32 s14, $0x2  }
0x14: {  	s14 =	sadd.s32 $0x40, s14;
	[tilespmem:s15+$0x8000] =	vst v1  }
0x15: {  	s14 =	simm.s32 $0xFFFFFFFC;
	s15 =	simm.s32 $0x0;
	s16 =	simm.s32 $0x20  }
.LBB2_4:
0x16: {  	v5 =	vld [tilespmem:s16+$0xFFFFFFE0];
	_ =	sdelay $0x4  }
0x17: {  	v5 =	vsub.s32 v5, v0  }
0x18: {  	v6 =	vshll.u32 v5, $0xF  }
0x19: {  	v6 =	vadd.s32 s15, v6  }
0x1a: {  	vm1 =	vlt.u32 v5, $0x400;
	v5 =	vadd.s32 v2, v6  }
0x1b: {  	v5 =	vnsel vm1, $0x7FFFFFFF, v5  }
0x1c: {  	v6 =	vxor.u32 $0x80000000, v5  }
0x1d: {  	(xrf1) =	vsort.ascd.msk.u32 $0xffff, v6, v5;
	_ =	sdelay $0xd  }
0x1e: {  	v5, _, _ =	vpop (xrf1)  }
0x1f: {  	v6 =	vxor.u32 $0x80000000, v5  }
0x20: {  	v7 =	vperm.xlane v6, v3;
	_ =	sdelay $0x1  }
0x21: {  	v6 =	vshra.s32 v6, $0xF;
	v7 =	vshra.s32 v7, $0xF  }
0x22: {  	vm1 =	vne.s32 v6, v7  }
0x23: {  	vm2 =	vne.s32 v5, $0xFFFFFFFF;
	vm1 =	vmor vm1, vm0  }
0x24: {  	vm1 =	vmand vm2, vm1  }
0x25: {  	v6 =	vand.u32 $0x3FF, v6;
	_ =	sdelay $0x3  }
0x26: {  	v5 =	vand.u32 $0x7FFF, v5  }
0x27: {  	[tilespmem:v6+s10+$0x0] =	vst.idx.msk vm1, v5  }
0x28: {  	v5 =	vld [tilespmem:s16+$0xFFFFFFF0];
	_ =	sdelay $0x4  }
0x29: {  	v5 =	vsub.s32 v5, v0  }
0x2a: {  	s17 =	sadd.s32 $0x10, s15;
	v6 =	vshll.u32 v5, $0xF  }
0x2b: {  	v6 =	vadd.s32 s17, v6  }
0x2c: {  	vm1 =	vlt.u32 v5, $0x400;
	v5 =	vadd.s32 v2, v6  }
0x2d: {  	v5 =	vnsel vm1, $0x7FFFFFFF, v5  }
0x2e: {  	v6 =	vxor.u32 $0x80000000, v5  }
0x2f: {  	(xrf1) =	vsort.ascd.msk.u32 $0xffff, v6, v5;
	_ =	sdelay $0xd  }
0x30: {  	v5, _, _ =	vpop (xrf1)  }
0x31: {  	v6 =	vxor.u32 $0x80000000, v5  }
0x32: {  	v7 =	vperm.xlane v6, v3;
	_ =	sdelay $0x1  }
0x33: {  	v6 =	vshra.s32 v6, $0xF;
	v7 =	vshra.s32 v7, $0xF  }
0x34: {  	vm1 =	vne.s32 v6, v7  }
0x35: {  	vm2 =	vne.s32 v5, $0xFFFFFFFF;
	vm1 =	vmor vm1, vm0  }
0x36: {  	vm1 =	vmand vm2, vm1  }
0x37: {  	v6 =	vand.u32 $0x3FF, v6;
	_ =	sdelay $0x3  }
0x38: {  	v5 =	vand.u32 $0x7FFF, v5  }
0x39: {  	[tilespmem:v6+s10+$0x0] =	vst.idx.msk vm1, v5  }
0x3a: {  	v5 =	vld [tilespmem:s16+$0x0];
	_ =	sdelay $0x4  }
0x3b: {  	v5 =	vsub.s32 v5, v0  }
0x3c: {  	s30 =	sadd.s32 $0x20, s15;
	v6 =	vshll.u32 v5, $0xF  }
0x3d: {  	v6 =	vadd.s32 s30, v6  }
0x3e: {  	vm1 =	vlt.u32 v5, $0x400;
	v5 =	vadd.s32 v2, v6  }
0x3f: {  	v5 =	vnsel vm1, $0x7FFFFFFF, v5  }
0x40: {  	v6 =	vxor.u32 $0x80000000, v5  }
0x41: {  	(xrf1) =	vsort.ascd.msk.u32 $0xffff, v6, v5;
	_ =	sdelay $0xd  }
0x42: {  	v5, _, _ =	vpop (xrf1)  }
0x43: {  	v6 =	vxor.u32 $0x80000000, v5  }
0x44: {  	v7 =	vperm.xlane v6, v3;
	_ =	sdelay $0x1  }
0x45: {  	v6 =	vshra.s32 v6, $0xF;
	v7 =	vshra.s32 v7, $0xF  }
0x46: {  	vm1 =	vne.s32 v6, v7  }
0x47: {  	vm2 =	vne.s32 v5, $0xFFFFFFFF;
	vm1 =	vmor vm1, vm0  }
0x48: {  	vm1 =	vmand vm2, vm1  }
0x49: {  	v6 =	vand.u32 $0x3FF, v6;
	_ =	sdelay $0x3  }
0x4a: {  	v5 =	vand.u32 $0x7FFF, v5  }
0x4b: {  	[tilespmem:v6+s10+$0x0] =	vst.idx.msk vm1, v5  }
0x4c: {  	v5 =	vld [tilespmem:s16+$0x10];
	_ =	sdelay $0x4  }
0x4d: {  	v5 =	vsub.s32 v5, v0  }
0x4e: {  	s31 =	sadd.s32 $0x30, s15;
	v6 =	vshll.u32 v5, $0xF  }
0x4f: {  	v6 =	vadd.s32 s31, v6  }
0x50: {  	vm1 =	vlt.u32 v5, $0x400;
	v5 =	vadd.s32 v2, v6  }
0x51: {  	v5 =	vnsel vm1, $0x7FFFFFFF, v5  }
0x52: {  	v6 =	vxor.u32 $0x80000000, v5  }
0x53: {  	(xrf1) =	vsort.ascd.msk.u32 $0xffff, v6, v5;
	_ =	sdelay $0xd  }
0x54: {  	v5, _, _ =	vpop (xrf1)  }
0x55: {  	v6 =	vxor.u32 $0x80000000, v5  }
0x56: {  	v7 =	vperm.xlane v6, v3;
	_ =	sdelay $0x1  }
0x57: {  	v6 =	vshra.s32 v6, $0xF;
	v7 =	vshra.s32 v7, $0xF  }
0x58: {  	vm1 =	vne.s32 v6, v7  }
0x59: {  	vm2 =	vne.s32 v5, $0xFFFFFFFF;
	vm1 =	vmor vm1, vm0  }
0x5a: {  	s14 =	sadd.s32 $0x4, s14;
	vm1 =	vmand vm2, vm1  }
0x5b: {  	p0 =	slt.u32 s14, $0x7FC;
	v6 =	vand.u32 $0x3FF, v6  }
.Ltmp1:
0x5c: {  	_ = 	snop;
	(pc) =	sbr.rel @p0 .LBB2_4-.Ltmp1, $3  }
0x5d: {  	_ =	sdelay $0x1  }
0x5e: {  	v5 =	vand.u32 $0x7FFF, v5  }
0x5f: {  	s15 =	sadd.s32 $0x40, s15;
	s16 =	sadd.s32 $0x40, s16;
	[tilespmem:v6+s10+$0x0] =	vst.idx.msk vm1, v5  }
0x60: {  	s14 =	simm.s32 $0x0  }
0x61: {  	[tilespmem:s14], [sflag:$0x1] =	stream.linear.gather [hbm4b:s2+s14], $0x8000, $0x38;
	[tilespmem:$0x8C00] =	vst v63  }
0x62: {  	_ =	swait.ge [sflag:s9], $0x8000  }
0x63: {  	[sflag:s9] =	ssyncset.done $0x0  }
0x64: {  	s15 =	simm.s32 $0x0;
	[sflag:s9] =	ssyncadd.s32 $0xFFFF8000  }
0x65: {  	v6 =	vld [tilespmem:s15+$0x8000];
	_ =	sdelay $0x4  }
0x66: {  	s14 =	simm.s32 $0x10;
	vm1 =	vgt.s32 v6, $0x0  }
0x67: {  	v5 =	vld [tilespmem:s14+$0x8000];
	v7 =	vnsel vm1, $0x0, v6;
	_ =	sdelay $0x3  }
0x68: {  	vm1 =	vgt.s32 v6, $0xFFFFFFFF  }
0x69: {  	v8 =	vsel vm1, $0x3F800000, v4;
	vm1 =	vgt.s32 v5, $0x0;
	v6 =	vld.idx.msk [tilespmem:v7+s4+$0x0], $0xffff  }
0x6a: {  	s16 =	simm.s32 $0x20;
	s17 =	simm.s32 $0xC0;
	[tilespmem:s15+$0x8800] =	vst v8;
	v7 =	vnsel vm1, $0x0, v5  }
.LBB2_6:
0x6b: {  	p0 =	sne.s32 s17, $0xFC0;
	v8 =	vld [tilespmem:s16+$0x8000];
	_ =	sdelay $0x1  }
.Ltmp2:
0x6c: {  	vm1 =	vgt.s32 v5, $0xFFFFFFFF;
	(pc) =	sbr.rel @p0 .LBB2_6-.Ltmp2, $4  }
0x6d: {  	v9 =	vsel vm1, $0x3F800000, v4;
	[tilespmem:s15+$0x8400] =	vst v6;
	s15 =	smov.u32 s14;
	s14 =	smov.u32 s16  }
0x6e: {  	v6 =	vld.idx.msk [tilespmem:v7+s4+$0x0], $0xffff;
	[tilespmem:s15+$0x8800] =	vst v9  }
0x6f: {  	vm1 =	vgt.s32 v8, $0x0;
	v5 =	vmov v8  }
0x70: {  	s16 =	sshra.s32 s17, $0x2;
	s17 =	sadd.s32 $0x40, s17;
	v7 =	vnsel vm1, $0x0, v5  }
0x71: {  	v8 =	vld [tilespmem:s16+$0x8000];
	_ =	sdelay $0x3  }
0x72: {  	[tilespmem:s15+$0x8400] =	vst v6  }
0x73: {  	v6 =	vld.idx.msk [tilespmem:v7+s4+$0x0], $0xffff;
	vm1 =	vgt.s32 v8, $0x0  }
0x74: {  	v7 =	vnsel vm1, $0x0, v8  }
0x75: {  	vm1 =	vgt.s32 v5, $0xFFFFFFFF  }
0x76: {  	v5 =	vsel vm1, $0x3F800000, v4  }
0x77: {  	[tilespmem:s14+$0x8800] =	vst v5  }
0x78: {  	[tilespmem:s14+$0x8400] =	vst v6  }
0x79: {  	v5 =	vld.idx.msk [tilespmem:v7+s4+$0x0], $0xffff;
	_ =	sdelay $0x1  }
0x7a: {  	vm1 =	vgt.s32 v8, $0xFFFFFFFF  }
0x7b: {  	v6 =	vsel vm1, $0x3F800000, v4  }
0x7c: {  	[tilespmem:s16+$0x8800] =	vst v6  }
0x7d: {  	[tilespmem:s16+$0x8400] =	vst v5  }
0x7e: {  	[hbm4b:s5+s4] =	stream.linear.scatter [tilespmem:s10], [sflag:$0x1], $0x400, $0x38;
	[tilespmem:$0x8C00] =	vst v63  }
0x7f: {  	_ =	swait.ge [sflag:s9], $0x400  }
0x80: {  	[sflag:s9] =	ssyncset.done $0x0  }
0x81: {  	[sflag:s9] =	ssyncadd.s32 $0xFFFFFC00  }
0x82: {  	[hbm4b:s6+s4] =	stream.linear.scatter [tilespmem:s11], [sflag:$0x1], $0x400, $0x38;
	[tilespmem:$0x8C00] =	vst v63  }
0x83: {  	s13 =	sadd.s32 $0x1, s13;
	_ =	swait.ge [sflag:s9], $0x400  }
0x84: {  	p0 =	sne.s32 s13, s8;
	[sflag:s9] =	ssyncset.done $0x0  }
.Ltmp3:
0x85: {  	[sflag:s9] =	ssyncadd.s32 $0xFFFFFC00;
	(pc) =	sbr.rel @p0 .LBB2_1-.Ltmp3, $4  }
0x86: {  	[hbm4b:s7+s4] =	stream.linear.scatter [tilespmem:s12], [sflag:$0x1], $0x400, $0x38;
	[tilespmem:$0x8C00] =	vst v63  }
0x87: {  	_ =	swait.ge [sflag:s9], $0x400  }
0x88: {  	[sflag:s9] =	ssyncset.done $0x0  }
0x89: {  	[sflag:s9] =	ssyncadd.s32 $0xFFFFFC00  }
0x8a: {  	_ =	sfence.sel $0x180000  }
0x8b: {  	[bflag:$0x0] =	sbarrier.arrive $0xFFFF  }
0x8c: {  	p0 =	sne.s32 s1, $0x0;
	_ =	strace $0x90000047  }
0x8d: {  	s0 =	sadd.s32 @!p0 $0x100000, s3;
	[bflag:$0x2] =	sbarrier.arrive $0xFFFF  }
0x8e: {  	[sflag:s0] =	ssyncadd.tile.s32 @!p0 $0x1;
	_ =	shalt  }
.Lfunc_end2:
_tile_overlayer_lowered:
.L_overlay_start_2:
0x8f: {  	(tag) =	ssettag $0x2  }
0x90: {  	s0 =	rddreg [dreg:$0x0];
	s2 =	stileid.u32  }
0x91: {  	s1 =	rddreg [dreg:$0x1];
	p0 =	sne.s32 s2, $0x0  }
0x92: {  	s3 =	rddreg [dreg:$0x2];
	[bflag:$0x3] =	sbarrier.arrive $0xFFFF;
	s2 =	simm.s32 @!p0 $0x1C01  }
0x93: {  	[timem:s3], [sflag:s2] =	dma.local @!p0 [hbm:s0], s1  }
0x94: {  	s0 =	simm.s32 @!p0 $0x1  }
0x95: {  	_ =	swait.ge @!p0 [sflag:s0], s1  }
0x96: {  	s1 =	ssub.s32 @!p0 $0x0, s1;
	[sflag:s0] =	ssyncset.done @!p0 $0x0  }
0x97: {  	[sflag:s0] =	ssyncadd.s32 @!p0 s1  }
0x98: {  	[bflag:$0x3] =	sbarrier.arrive $0xFFFF  }
0x99: {  	_ =	shalt  }

</sc_bundles>
